<compile_context>
chip_gen: v7x
topology: tpu7x:2x2x1
jax: 0.10.2.dev20260603
libtpu: 0.0.44.dev20260713+nightly
codegen_flags: <defaults>
</compile_context>

<pallas_src>
import functools

import jax
import jax.numpy as jnp
from jax import lax
from jax.experimental import pallas as pl
from jax.experimental.pallas import tpu as pltpu
from jax.experimental.pallas import tpu_sc as plsc

CHUNK = 64
NBUF = 10
LAG = 1


def _make_gather(n_total, d):
    info = plsc.get_sparse_core_info()
    nc, ns = info.num_cores, info.num_subcores
    nw = nc * ns
    per_w = n_total // nw
    n_chunks = per_w // CHUNK
    assert per_w % CHUNK == 0 and n_chunks % NBUF == 0

    mesh = plsc.VectorSubcoreMesh(core_axis_name="c", subcore_axis_name="s")

    @functools.partial(
        pl.kernel,
        mesh=mesh,
        out_type=jax.ShapeDtypeStruct((nw, n_chunks, CHUNK, d), jnp.float32),
        scratch_types=[
            pltpu.VMEM((n_chunks, CHUNK), jnp.int32),
            pltpu.VMEM((NBUF, CHUNK, d), jnp.float32),
            pltpu.SemaphoreType.DMA((NBUF,)),
            pltpu.SemaphoreType.DMA((NBUF,)),
        ],
    )
    def gather_kernel(idx_hbm, table_hbm, out_hbm, idx_v, rows_v, gsem, ssem):
        wid = lax.axis_index("s") * nc + lax.axis_index("c")
        pltpu.sync_copy(idx_hbm.at[wid], idx_v)

        def fire_gather(chunk, b):
            pltpu.make_async_copy(
                table_hbm.at[idx_v.at[chunk]], rows_v.at[b], gsem.at[b]
            ).start()

        def wait_gather(b):
            pltpu.make_async_copy(
                table_hbm.at[idx_v.at[0]], rows_v.at[b], gsem.at[b]
            ).wait()

        def fire_store(chunk, b):
            pltpu.make_async_copy(
                rows_v.at[b], out_hbm.at[wid, chunk], ssem.at[b]
            ).start()

        def wait_store(b):
            pltpu.make_async_copy(
                rows_v.at[b], out_hbm.at[wid, 0], ssem.at[b]
            ).wait()

        for b in range(NBUF):
            fire_gather(b, b)

        def body(g, _):
            for b in range(NBUF):
                j = g * NBUF + b
                wait_gather(b)
                fire_store(j, b)
                bfill = (b - LAG) % NBUF

                @pl.when((j >= LAG) & (j + NBUF - LAG < n_chunks))
                def _():
                    wait_store(bfill)
                    fire_gather(j + NBUF - LAG, bfill)

            return 0

        lax.fori_loop(0, n_chunks // NBUF, body, 0)

        for b in range(NBUF):
            wait_store(b)

    return gather_kernel, nw, n_chunks


def kernel(indices, table):
    bsz, seq = indices.shape
    _, d = table.shape
    n_total = bsz * seq

    gather_kernel, nw, n_chunks = _make_gather(n_total, d)
    idx = indices.astype(jnp.int32).reshape(nw, n_chunks, CHUNK)
    out = gather_kernel(idx, table)
    emb = out.reshape(bsz, seq, d)
    seq_lengths = jnp.full((bsz,), seq, dtype=jnp.int32)
    return (emb, seq_lengths)

# --- scband reference (transcript-rebuilt; emitter-appended) ---
"""Pipeline reference for scband-embedder-77653008712327 (READ-ONLY COPY).

The authoritative reference and input builder live on the scoring server;
editing this copy changes nothing except your own understanding.
"""

import jax, jax.numpy as jnp
import numpy as np

VOCAB = 100000
EMB_DIM = 128
BATCH = 1024
SEQ = 200

def setup_inputs(seed: int = 0) -> dict:
    key = jax.random.key(seed)
    k1, k2 = jax.random.split(key)
    indices = jax.random.randint(k1, (BATCH, SEQ), 0, VOCAB, dtype=jnp.int64 if jax.config.jax_enable_x64 else jnp.int32)
    table = jax.random.normal(k2, (VOCAB, EMB_DIM), dtype=jnp.float32) * 0.02
    # padding_idx=0: row 0 is zeroed, matching nn.Embedding(padding_idx=0)
    table = table.at[0].set(0.0)
    return {"indices": indices, "table": table}

def reference(indices, table):
    # Faithful translation of Embedder.forward after tokenization:
    # gather embeddings for each token index; sequences are all full-length
    # here so pad_sequence is an identity stack.
    emb = jnp.take(table, indices, axis=0)  # [B, L, D]
    seq_lengths = jnp.full((indices.shape[0],), indices.shape[1], dtype=jnp.int32)
    return (emb, seq_lengths)

if __name__ == "__main__":
    import jax
    _d = setup_inputs()
    print(jax.jit(kernel)(*tuple(_d.values())))

</pallas_src>

<mosaic_0001>
#map = affine_map<(d0, d1) -> (0, 0, 0)>
#map1 = affine_map<(d0, d1) -> (0, 0)>
#map2 = affine_map<(d0, d1) -> (0, 0, 0, 0)>
module attributes {stable_mosaic.version = 14 : i64} {
  func.func @gather_kernel(%arg0: i32, %arg1: i32, %arg2: memref<32x100x64xi32, #tpu.memory_space<hbm>>, %arg3: memref<100000x128xf32, #tpu.memory_space<hbm>>, %arg4: memref<32x100x64x128xf32, #tpu.memory_space<hbm>>, %arg5: memref<100x64xi32, #tpu.memory_space<vmem>>, %arg6: memref<10x64x128xf32, #tpu.memory_space<vmem>>, %arg7: memref<10x!tpu.dma_semaphore, #tpu.memory_space<semaphore_mem>>, %arg8: memref<10x!tpu.dma_semaphore, #tpu.memory_space<semaphore_mem>>) attributes {dimension_semantics = [#tpu.dimension_semantics<core_parallel>, #tpu.dimension_semantics<subcore_parallel>], iteration_bounds = array<i64: 2, 16>, scalar_prefetch = 0 : i64, scratch_operands = 4 : i64, tpu.core_type = #tpu.core_type<sc_vector_subcore>, window_params = [{transform_indices = #map}, {transform_indices = #map1}, {transform_indices = #map2}]} {
    %mul3A = arith.constant 2 : i32
    %mul3A_0 = arith.muli %arg1, %mul3A : i32
    %add3A = arith.addi %mul3A_0, %arg0 : i32
    "tpu.region"() ({
      %run_scoped3A = tpu.sem_alloc : memref<!tpu.dma_semaphore, #tpu.memory_space<semaphore_mem>>
      %dma_start3A_365 = arith.constant 0 : i32
      %dma_start3A_366 = arith.constant 0 : i32
      %dma_start3A_367 = tpu.memref_slice %arg2[%add3A, %dma_start3A_365, %dma_start3A_366] : memref<32x100x64xi32, #tpu.memory_space<hbm>> -> memref<1x100x64xi32, #tpu.memory_space<hbm>>
      %dma_start3A_368 = tpu.memref_squeeze %dma_start3A_367 : memref<1x100x64xi32, #tpu.memory_space<hbm>> -> memref<100x64xi32, #tpu.memory_space<hbm>>
      %dma_start3A_369 = arith.constant 0 : i32
      %dma_start3A_370 = arith.constant 0 : i32
      %dma_start3A_371 = tpu.memref_slice %arg2[%add3A, %dma_start3A_369, %dma_start3A_370] : memref<32x100x64xi32, #tpu.memory_space<hbm>> -> memref<1x100x64xi32, #tpu.memory_space<hbm>>
      %dma_start3A_372 = tpu.memref_squeeze %dma_start3A_371 : memref<1x100x64xi32, #tpu.memory_space<hbm>> -> memref<100x64xi32, #tpu.memory_space<hbm>>
      tpu.enqueue_dma source(%dma_start3A_372 : memref<100x64xi32, #tpu.memory_space<hbm>>) target(%arg5 : memref<100x64xi32, #tpu.memory_space<vmem>>) target_semaphore(%run_scoped3A : memref<!tpu.dma_semaphore, #tpu.memory_space<semaphore_mem>>)
      %dma_wait3A_373 = arith.constant 0 : i32
      %dma_wait3A_374 = arith.constant 0 : i32
      %dma_wait3A_375 = tpu.memref_slice %arg2[%add3A, %dma_wait3A_373, %dma_wait3A_374] : memref<32x100x64xi32, #tpu.memory_space<hbm>> -> memref<1x100x64xi32, #tpu.memory_space<hbm>>
      %dma_wait3A_376 = tpu.memref_squeeze %dma_wait3A_375 : memref<1x100x64xi32, #tpu.memory_space<hbm>> -> memref<100x64xi32, #tpu.memory_space<hbm>>
      %dma_wait3A_377 = arith.constant 0 : i32
      %dma_wait3A_378 = arith.constant 0 : i32
      %dma_wait3A_379 = tpu.memref_slice %arg2[%add3A, %dma_wait3A_377, %dma_wait3A_378] : memref<32x100x64xi32, #tpu.memory_space<hbm>> -> memref<1x100x64xi32, #tpu.memory_space<hbm>>
      %dma_wait3A_380 = tpu.memref_squeeze %dma_wait3A_379 : memref<1x100x64xi32, #tpu.memory_space<hbm>> -> memref<100x64xi32, #tpu.memory_space<hbm>>
      tpu.wait_dma2 semaphore(%run_scoped3A : memref<!tpu.dma_semaphore, #tpu.memory_space<semaphore_mem>>) src(%dma_wait3A_380 : memref<100x64xi32, #tpu.memory_space<hbm>>) dst(%arg5 : memref<100x64xi32, #tpu.memory_space<vmem>>)
      tpu.yield
    }) : () -> ()
    %dma_start3A = arith.constant 0 : i32
    %dma_start3A_1 = arith.constant 0 : i32
    %dma_start3A_2 = arith.constant 0 : i32
    %dma_start3A_3 = arith.constant 0 : i32
    %dma_start3A_4 = arith.constant 0 : i32
    %dma_start3A_5 = tpu.memref_slice %arg6[%dma_start3A_1, %dma_start3A_3, %dma_start3A_4] : memref<10x64x128xf32, #tpu.memory_space<vmem>> -> memref<1x64x128xf32, #tpu.memory_space<vmem>>
    %dma_start3A_6 = tpu.memref_squeeze %dma_start3A_5 : memref<1x64x128xf32, #tpu.memory_space<vmem>> -> memref<64x128xf32, #tpu.memory_space<vmem>>
    %dma_start3A_7 = arith.constant 0 : i32
    %dma_start3A_8 = tpu.memref_slice %arg5[%dma_start3A, %dma_start3A_7] : memref<100x64xi32, #tpu.memory_space<vmem>> -> memref<1x64xi32, #tpu.memory_space<vmem>>
    %dma_start3A_9 = tpu.memref_squeeze %dma_start3A_8 : memref<1x64xi32, #tpu.memory_space<vmem>> -> memref<64xi32, #tpu.memory_space<vmem>>
    %dma_start3A_10 = arith.constant 0 : i32
    %dma_start3A_11 = arith.constant 0 : i32
    %dma_start3A_12 = tpu.memref_slice %arg3[%dma_start3A_10, %dma_start3A_11] : memref<100000x128xf32, #tpu.memory_space<hbm>> -> memref<100000x128xf32, #tpu.memory_space<hbm>>
    %dma_start3A_13 = tpu.memref_slice %arg7[%dma_start3A_2] : memref<10x!tpu.dma_semaphore, #tpu.memory_space<semaphore_mem>> -> memref<1x!tpu.dma_semaphore, #tpu.memory_space<semaphore_mem>>
    %dma_start3A_14 = tpu.memref_squeeze %dma_start3A_13 : memref<1x!tpu.dma_semaphore, #tpu.memory_space<semaphore_mem>> -> memref<!tpu.dma_semaphore, #tpu.memory_space<semaphore_mem>>
    tpu.enqueue_indirect_dma source(%dma_start3A_12 : memref<100000x128xf32, #tpu.memory_space<hbm>>) target(%dma_start3A_6 : memref<64x128xf32, #tpu.memory_space<vmem>>) offsets(%dma_start3A_9 : memref<64xi32, #tpu.memory_space<vmem>>) semaphore(%dma_start3A_14 : memref<!tpu.dma_semaphore, #tpu.memory_space<semaphore_mem>>)
    %dma_start3A_15 = arith.constant 1 : i32
    %dma_start3A_16 = arith.constant 1 : i32
    %dma_start3A_17 = arith.constant 1 : i32
    %dma_start3A_18 = arith.constant 0 : i32
    %dma_start3A_19 = arith.constant 0 : i32
    %dma_start3A_20 = tpu.memref_slice %arg6[%dma_start3A_16, %dma_start3A_18, %dma_start3A_19] : memref<10x64x128xf32, #tpu.memory_space<vmem>> -> memref<1x64x128xf32, #tpu.memory_space<vmem>>
    %dma_start3A_21 = tpu.memref_squeeze %dma_start3A_20 : memref<1x64x128xf32, #tpu.memory_space<vmem>> -> memref<64x128xf32, #tpu.memory_space<vmem>>
    %dma_start3A_22 = arith.constant 0 : i32
    %dma_start3A_23 = tpu.memref_slice %arg5[%dma_start3A_15, %dma_start3A_22] : memref<100x64xi32, #tpu.memory_space<vmem>> -> memref<1x64xi32, #tpu.memory_space<vmem>>
    %dma_start3A_24 = tpu.memref_squeeze %dma_start3A_23 : memref<1x64xi32, #tpu.memory_space<vmem>> -> memref<64xi32, #tpu.memory_space<vmem>>
    %dma_start3A_25 = arith.constant 0 : i32
    %dma_start3A_26 = arith.constant 0 : i32
    %dma_start3A_27 = tpu.memref_slice %arg3[%dma_start3A_25, %dma_start3A_26] : memref<100000x128xf32, #tpu.memory_space<hbm>> -> memref<100000x128xf32, #tpu.memory_space<hbm>>
    %dma_start3A_28 = tpu.memref_slice %arg7[%dma_start3A_17] : memref<10x!tpu.dma_semaphore, #tpu.memory_space<semaphore_mem>> -> memref<1x!tpu.dma_semaphore, #tpu.memory_space<semaphore_mem>>
    %dma_start3A_29 = tpu.memref_squeeze %dma_start3A_28 : memref<1x!tpu.dma_semaphore, #tpu.memory_space<semaphore_mem>> -> memref<!tpu.dma_semaphore, #tpu.memory_space<semaphore_mem>>
    tpu.enqueue_indirect_dma source(%dma_start3A_27 : memref<100000x128xf32, #tpu.memory_space<hbm>>) target(%dma_start3A_21 : memref<64x128xf32, #tpu.memory_space<vmem>>) offsets(%dma_start3A_24 : memref<64xi32, #tpu.memory_space<vmem>>) semaphore(%dma_start3A_29 : memref<!tpu.dma_semaphore, #tpu.memory_space<semaphore_mem>>)
    %dma_start3A_30 = arith.constant 2 : i32
    %dma_start3A_31 = arith.constant 2 : i32
    %dma_start3A_32 = arith.constant 2 : i32
    %dma_start3A_33 = arith.constant 0 : i32
    %dma_start3A_34 = arith.constant 0 : i32
    %dma_start3A_35 = tpu.memref_slice %arg6[%dma_start3A_31, %dma_start3A_33, %dma_start3A_34] : memref<10x64x128xf32, #tpu.memory_space<vmem>> -> memref<1x64x128xf32, #tpu.memory_space<vmem>>
    %dma_start3A_36 = tpu.memref_squeeze %dma_start3A_35 : memref<1x64x128xf32, #tpu.memory_space<vmem>> -> memref<64x128xf32, #tpu.memory_space<vmem>>
    %dma_start3A_37 = arith.constant 0 : i32
    %dma_start3A_38 = tpu.memref_slice %arg5[%dma_start3A_30, %dma_start3A_37] : memref<100x64xi32, #tpu.memory_space<vmem>> -> memref<1x64xi32, #tpu.memory_space<vmem>>
    %dma_start3A_39 = tpu.memref_squeeze %dma_start3A_38 : memref<1x64xi32, #tpu.memory_space<vmem>> -> memref<64xi32, #tpu.memory_space<vmem>>
    %dma_start3A_40 = arith.constant 0 : i32
    %dma_start3A_41 = arith.constant 0 : i32
    %dma_start3A_42 = tpu.memref_slice %arg3[%dma_start3A_40, %dma_start3A_41] : memref<100000x128xf32, #tpu.memory_space<hbm>> -> memref<100000x128xf32, #tpu.memory_space<hbm>>
    %dma_start3A_43 = tpu.memref_slice %arg7[%dma_start3A_32] : memref<10x!tpu.dma_semaphore, #tpu.memory_space<semaphore_mem>> -> memref<1x!tpu.dma_semaphore, #tpu.memory_space<semaphore_mem>>
    %dma_start3A_44 = tpu.memref_squeeze %dma_start3A_43 : memref<1x!tpu.dma_semaphore, #tpu.memory_space<semaphore_mem>> -> memref<!tpu.dma_semaphore, #tpu.memory_space<semaphore_mem>>
    tpu.enqueue_indirect_dma source(%dma_start3A_42 : memref<100000x128xf32, #tpu.memory_space<hbm>>) target(%dma_start3A_36 : memref<64x128xf32, #tpu.memory_space<vmem>>) offsets(%dma_start3A_39 : memref<64xi32, #tpu.memory_space<vmem>>) semaphore(%dma_start3A_44 : memref<!tpu.dma_semaphore, #tpu.memory_space<semaphore_mem>>)
    %dma_start3A_45 = arith.constant 3 : i32
    %dma_start3A_46 = arith.constant 3 : i32
    %dma_start3A_47 = arith.constant 3 : i32
    %dma_start3A_48 = arith.constant 0 : i32
    %dma_start3A_49 = arith.constant 0 : i32
    %dma_start3A_50 = tpu.memref_slice %arg6[%dma_start3A_46, %dma_start3A_48, %dma_start3A_49] : memref<10x64x128xf32, #tpu.memory_space<vmem>> -> memref<1x64x128xf32, #tpu.memory_space<vmem>>
    %dma_start3A_51 = tpu.memref_squeeze %dma_start3A_50 : memref<1x64x128xf32, #tpu.memory_space<vmem>> -> memref<64x128xf32, #tpu.memory_space<vmem>>
    %dma_start3A_52 = arith.constant 0 : i32
    %dma_start3A_53 = tpu.memref_slice %arg5[%dma_start3A_45, %dma_start3A_52] : memref<100x64xi32, #tpu.memory_space<vmem>> -> memref<1x64xi32, #tpu.memory_space<vmem>>
    %dma_start3A_54 = tpu.memref_squeeze %dma_start3A_53 : memref<1x64xi32, #tpu.memory_space<vmem>> -> memref<64xi32, #tpu.memory_space<vmem>>
    %dma_start3A_55 = arith.constant 0 : i32
    %dma_start3A_56 = arith.constant 0 : i32
    %dma_start3A_57 = tpu.memref_slice %arg3[%dma_start3A_55, %dma_start3A_56] : memref<100000x128xf32, #tpu.memory_space<hbm>> -> memref<100000x128xf32, #tpu.memory_space<hbm>>
    %dma_start3A_58 = tpu.memref_slice %arg7[%dma_start3A_47] : memref<10x!tpu.dma_semaphore, #tpu.memory_space<semaphore_mem>> -> memref<1x!tpu.dma_semaphore, #tpu.memory_space<semaphore_mem>>
    %dma_start3A_59 = tpu.memref_squeeze %dma_start3A_58 : memref<1x!tpu.dma_semaphore, #tpu.memory_space<semaphore_mem>> -> memref<!tpu.dma_semaphore, #tpu.memory_space<semaphore_mem>>
    tpu.enqueue_indirect_dma source(%dma_start3A_57 : memref<100000x128xf32, #tpu.memory_space<hbm>>) target(%dma_start3A_51 : memref<64x128xf32, #tpu.memory_space<vmem>>) offsets(%dma_start3A_54 : memref<64xi32, #tpu.memory_space<vmem>>) semaphore(%dma_start3A_59 : memref<!tpu.dma_semaphore, #tpu.memory_space<semaphore_mem>>)
    %dma_start3A_60 = arith.constant 4 : i32
    %dma_start3A_61 = arith.constant 4 : i32
    %dma_start3A_62 = arith.constant 4 : i32
    %dma_start3A_63 = arith.constant 0 : i32
    %dma_start3A_64 = arith.constant 0 : i32
    %dma_start3A_65 = tpu.memref_slice %arg6[%dma_start3A_61, %dma_start3A_63, %dma_start3A_64] : memref<10x64x128xf32, #tpu.memory_space<vmem>> -> memref<1x64x128xf32, #tpu.memory_space<vmem>>
    %dma_start3A_66 = tpu.memref_squeeze %dma_start3A_65 : memref<1x64x128xf32, #tpu.memory_space<vmem>> -> memref<64x128xf32, #tpu.memory_space<vmem>>
    %dma_start3A_67 = arith.constant 0 : i32
    %dma_start3A_68 = tpu.memref_slice %arg5[%dma_start3A_60, %dma_start3A_67] : memref<100x64xi32, #tpu.memory_space<vmem>> -> memref<1x64xi32, #tpu.memory_space<vmem>>
    %dma_start3A_69 = tpu.memref_squeeze %dma_start3A_68 : memref<1x64xi32, #tpu.memory_space<vmem>> -> memref<64xi32, #tpu.memory_space<vmem>>
    %dma_start3A_70 = arith.constant 0 : i32
    %dma_start3A_71 = arith.constant 0 : i32
    %dma_start3A_72 = tpu.memref_slice %arg3[%dma_start3A_70, %dma_start3A_71] : memref<100000x128xf32, #tpu.memory_space<hbm>> -> memref<100000x128xf32, #tpu.memory_space<hbm>>
    %dma_start3A_73 = tpu.memref_slice %arg7[%dma_start3A_62] : memref<10x!tpu.dma_semaphore, #tpu.memory_space<semaphore_mem>> -> memref<1x!tpu.dma_semaphore, #tpu.memory_space<semaphore_mem>>
    %dma_start3A_74 = tpu.memref_squeeze %dma_start3A_73 : memref<1x!tpu.dma_semaphore, #tpu.memory_space<semaphore_mem>> -> memref<!tpu.dma_semaphore, #tpu.memory_space<semaphore_mem>>
    tpu.enqueue_indirect_dma source(%dma_start3A_72 : memref<100000x128xf32, #tpu.memory_space<hbm>>) target(%dma_start3A_66 : memref<64x128xf32, #tpu.memory_space<vmem>>) offsets(%dma_start3A_69 : memref<64xi32, #tpu.memory_space<vmem>>) semaphore(%dma_start3A_74 : memref<!tpu.dma_semaphore, #tpu.memory_space<semaphore_mem>>)
    %dma_start3A_75 = arith.constant 5 : i32
    %dma_start3A_76 = arith.constant 5 : i32
    %dma_start3A_77 = arith.constant 5 : i32
    %dma_start3A_78 = arith.constant 0 : i32
    %dma_start3A_79 = arith.constant 0 : i32
    %dma_start3A_80 = tpu.memref_slice %arg6[%dma_start3A_76, %dma_start3A_78, %dma_start3A_79] : memref<10x64x128xf32, #tpu.memory_space<vmem>> -> memref<1x64x128xf32, #tpu.memory_space<vmem>>
    %dma_start3A_81 = tpu.memref_squeeze %dma_start3A_80 : memref<1x64x128xf32, #tpu.memory_space<vmem>> -> memref<64x128xf32, #tpu.memory_space<vmem>>
    %dma_start3A_82 = arith.constant 0 : i32
    %dma_start3A_83 = tpu.memref_slice %arg5[%dma_start3A_75, %dma_start3A_82] : memref<100x64xi32, #tpu.memory_space<vmem>> -> memref<1x64xi32, #tpu.memory_space<vmem>>
    %dma_start3A_84 = tpu.memref_squeeze %dma_start3A_83 : memref<1x64xi32, #tpu.memory_space<vmem>> -> memref<64xi32, #tpu.memory_space<vmem>>
    %dma_start3A_85 = arith.constant 0 : i32
    %dma_start3A_86 = arith.constant 0 : i32
    %dma_start3A_87 = tpu.memref_slice %arg3[%dma_start3A_85, %dma_start3A_86] : memref<100000x128xf32, #tpu.memory_space<hbm>> -> memref<100000x128xf32, #tpu.memory_space<hbm>>
    %dma_start3A_88 = tpu.memref_slice %arg7[%dma_start3A_77] : memref<10x!tpu.dma_semaphore, #tpu.memory_space<semaphore_mem>> -> memref<1x!tpu.dma_semaphore, #tpu.memory_space<semaphore_mem>>
    %dma_start3A_89 = tpu.memref_squeeze %dma_start3A_88 : memref<1x!tpu.dma_semaphore, #tpu.memory_space<semaphore_mem>> -> memref<!tpu.dma_semaphore, #tpu.memory_space<semaphore_mem>>
    tpu.enqueue_indirect_dma source(%dma_start3A_87 : memref<100000x128xf32, #tpu.memory_space<hbm>>) target(%dma_start3A_81 : memref<64x128xf32, #tpu.memory_space<vmem>>) offsets(%dma_start3A_84 : memref<64xi32, #tpu.memory_space<vmem>>) semaphore(%dma_start3A_89 : memref<!tpu.dma_semaphore, #tpu.memory_space<semaphore_mem>>)
    %dma_start3A_90 = arith.constant 6 : i32
    %dma_start3A_91 = arith.constant 6 : i32
    %dma_start3A_92 = arith.constant 6 : i32
    %dma_start3A_93 = arith.constant 0 : i32
    %dma_start3A_94 = arith.constant 0 : i32
    %dma_start3A_95 = tpu.memref_slice %arg6[%dma_start3A_91, %dma_start3A_93, %dma_start3A_94] : memref<10x64x128xf32, #tpu.memory_space<vmem>> -> memref<1x64x128xf32, #tpu.memory_space<vmem>>
    %dma_start3A_96 = tpu.memref_squeeze %dma_start3A_95 : memref<1x64x128xf32, #tpu.memory_space<vmem>> -> memref<64x128xf32, #tpu.memory_space<vmem>>
    %dma_start3A_97 = arith.constant 0 : i32
    %dma_start3A_98 = tpu.memref_slice %arg5[%dma_start3A_90, %dma_start3A_97] : memref<100x64xi32, #tpu.memory_space<vmem>> -> memref<1x64xi32, #tpu.memory_space<vmem>>
    %dma_start3A_99 = tpu.memref_squeeze %dma_start3A_98 : memref<1x64xi32, #tpu.memory_space<vmem>> -> memref<64xi32, #tpu.memory_space<vmem>>
    %dma_start3A_100 = arith.constant 0 : i32
    %dma_start3A_101 = arith.constant 0 : i32
    %dma_start3A_102 = tpu.memref_slice %arg3[%dma_start3A_100, %dma_start3A_101] : memref<100000x128xf32, #tpu.memory_space<hbm>> -> memref<100000x128xf32, #tpu.memory_space<hbm>>
    %dma_start3A_103 = tpu.memref_slice %arg7[%dma_start3A_92] : memref<10x!tpu.dma_semaphore, #tpu.memory_space<semaphore_mem>> -> memref<1x!tpu.dma_semaphore, #tpu.memory_space<semaphore_mem>>
    %dma_start3A_104 = tpu.memref_squeeze %dma_start3A_103 : memref<1x!tpu.dma_semaphore, #tpu.memory_space<semaphore_mem>> -> memref<!tpu.dma_semaphore, #tpu.memory_space<semaphore_mem>>
    tpu.enqueue_indirect_dma source(%dma_start3A_102 : memref<100000x128xf32, #tpu.memory_space<hbm>>) target(%dma_start3A_96 : memref<64x128xf32, #tpu.memory_space<vmem>>) offsets(%dma_start3A_99 : memref<64xi32, #tpu.memory_space<vmem>>) semaphore(%dma_start3A_104 : memref<!tpu.dma_semaphore, #tpu.memory_space<semaphore_mem>>)
    %dma_start3A_105 = arith.constant 7 : i32
    %dma_start3A_106 = arith.constant 7 : i32
    %dma_start3A_107 = arith.constant 7 : i32
    %dma_start3A_108 = arith.constant 0 : i32
    %dma_start3A_109 = arith.constant 0 : i32
    %dma_start3A_110 = tpu.memref_slice %arg6[%dma_start3A_106, %dma_start3A_108, %dma_start3A_109] : memref<10x64x128xf32, #tpu.memory_space<vmem>> -> memref<1x64x128xf32, #tpu.memory_space<vmem>>
    %dma_start3A_111 = tpu.memref_squeeze %dma_start3A_110 : memref<1x64x128xf32, #tpu.memory_space<vmem>> -> memref<64x128xf32, #tpu.memory_space<vmem>>
    %dma_start3A_112 = arith.constant 0 : i32
    %dma_start3A_113 = tpu.memref_slice %arg5[%dma_start3A_105, %dma_start3A_112] : memref<100x64xi32, #tpu.memory_space<vmem>> -> memref<1x64xi32, #tpu.memory_space<vmem>>
    %dma_start3A_114 = tpu.memref_squeeze %dma_start3A_113 : memref<1x64xi32, #tpu.memory_space<vmem>> -> memref<64xi32, #tpu.memory_space<vmem>>
    %dma_start3A_115 = arith.constant 0 : i32
    %dma_start3A_116 = arith.constant 0 : i32
    %dma_start3A_117 = tpu.memref_slice %arg3[%dma_start3A_115, %dma_start3A_116] : memref<100000x128xf32, #tpu.memory_space<hbm>> -> memref<100000x128xf32, #tpu.memory_space<hbm>>
    %dma_start3A_118 = tpu.memref_slice %arg7[%dma_start3A_107] : memref<10x!tpu.dma_semaphore, #tpu.memory_space<semaphore_mem>> -> memref<1x!tpu.dma_semaphore, #tpu.memory_space<semaphore_mem>>
    %dma_start3A_119 = tpu.memref_squeeze %dma_start3A_118 : memref<1x!tpu.dma_semaphore, #tpu.memory_space<semaphore_mem>> -> memref<!tpu.dma_semaphore, #tpu.memory_space<semaphore_mem>>
    tpu.enqueue_indirect_dma source(%dma_start3A_117 : memref<100000x128xf32, #tpu.memory_space<hbm>>) target(%dma_start3A_111 : memref<64x128xf32, #tpu.memory_space<vmem>>) offsets(%dma_start3A_114 : memref<64xi32, #tpu.memory_space<vmem>>) semaphore(%dma_start3A_119 : memref<!tpu.dma_semaphore, #tpu.memory_space<semaphore_mem>>)
    %dma_start3A_120 = arith.constant 8 : i32
    %dma_start3A_121 = arith.constant 8 : i32
    %dma_start3A_122 = arith.constant 8 : i32
    %dma_start3A_123 = arith.constant 0 : i32
    %dma_start3A_124 = arith.constant 0 : i32
    %dma_start3A_125 = tpu.memref_slice %arg6[%dma_start3A_121, %dma_start3A_123, %dma_start3A_124] : memref<10x64x128xf32, #tpu.memory_space<vmem>> -> memref<1x64x128xf32, #tpu.memory_space<vmem>>
    %dma_start3A_126 = tpu.memref_squeeze %dma_start3A_125 : memref<1x64x128xf32, #tpu.memory_space<vmem>> -> memref<64x128xf32, #tpu.memory_space<vmem>>
    %dma_start3A_127 = arith.constant 0 : i32
    %dma_start3A_128 = tpu.memref_slice %arg5[%dma_start3A_120, %dma_start3A_127] : memref<100x64xi32, #tpu.memory_space<vmem>> -> memref<1x64xi32, #tpu.memory_space<vmem>>
    %dma_start3A_129 = tpu.memref_squeeze %dma_start3A_128 : memref<1x64xi32, #tpu.memory_space<vmem>> -> memref<64xi32, #tpu.memory_space<vmem>>
    %dma_start3A_130 = arith.constant 0 : i32
    %dma_start3A_131 = arith.constant 0 : i32
    %dma_start3A_132 = tpu.memref_slice %arg3[%dma_start3A_130, %dma_start3A_131] : memref<100000x128xf32, #tpu.memory_space<hbm>> -> memref<100000x128xf32, #tpu.memory_space<hbm>>
    %dma_start3A_133 = tpu.memref_slice %arg7[%dma_start3A_122] : memref<10x!tpu.dma_semaphore, #tpu.memory_space<semaphore_mem>> -> memref<1x!tpu.dma_semaphore, #tpu.memory_space<semaphore_mem>>
    %dma_start3A_134 = tpu.memref_squeeze %dma_start3A_133 : memref<1x!tpu.dma_semaphore, #tpu.memory_space<semaphore_mem>> -> memref<!tpu.dma_semaphore, #tpu.memory_space<semaphore_mem>>
    tpu.enqueue_indirect_dma source(%dma_start3A_132 : memref<100000x128xf32, #tpu.memory_space<hbm>>) target(%dma_start3A_126 : memref<64x128xf32, #tpu.memory_space<vmem>>) offsets(%dma_start3A_129 : memref<64xi32, #tpu.memory_space<vmem>>) semaphore(%dma_start3A_134 : memref<!tpu.dma_semaphore, #tpu.memory_space<semaphore_mem>>)
    %dma_start3A_135 = arith.constant 9 : i32
    %dma_start3A_136 = arith.constant 9 : i32
    %dma_start3A_137 = arith.constant 9 : i32
    %dma_start3A_138 = arith.constant 0 : i32
    %dma_start3A_139 = arith.constant 0 : i32
    %dma_start3A_140 = tpu.memref_slice %arg6[%dma_start3A_136, %dma_start3A_138, %dma_start3A_139] : memref<10x64x128xf32, #tpu.memory_space<vmem>> -> memref<1x64x128xf32, #tpu.memory_space<vmem>>
    %dma_start3A_141 = tpu.memref_squeeze %dma_start3A_140 : memref<1x64x128xf32, #tpu.memory_space<vmem>> -> memref<64x128xf32, #tpu.memory_space<vmem>>
    %dma_start3A_142 = arith.constant 0 : i32
    %dma_start3A_143 = tpu.memref_slice %arg5[%dma_start3A_135, %dma_start3A_142] : memref<100x64xi32, #tpu.memory_space<vmem>> -> memref<1x64xi32, #tpu.memory_space<vmem>>
    %dma_start3A_144 = tpu.memref_squeeze %dma_start3A_143 : memref<1x64xi32, #tpu.memory_space<vmem>> -> memref<64xi32, #tpu.memory_space<vmem>>
    %dma_start3A_145 = arith.constant 0 : i32
    %dma_start3A_146 = arith.constant 0 : i32
    %dma_start3A_147 = tpu.memref_slice %arg3[%dma_start3A_145, %dma_start3A_146] : memref<100000x128xf32, #tpu.memory_space<hbm>> -> memref<100000x128xf32, #tpu.memory_space<hbm>>
    %dma_start3A_148 = tpu.memref_slice %arg7[%dma_start3A_137] : memref<10x!tpu.dma_semaphore, #tpu.memory_space<semaphore_mem>> -> memref<1x!tpu.dma_semaphore, #tpu.memory_space<semaphore_mem>>
    %dma_start3A_149 = tpu.memref_squeeze %dma_start3A_148 : memref<1x!tpu.dma_semaphore, #tpu.memory_space<semaphore_mem>> -> memref<!tpu.dma_semaphore, #tpu.memory_space<semaphore_mem>>
    tpu.enqueue_indirect_dma source(%dma_start3A_147 : memref<100000x128xf32, #tpu.memory_space<hbm>>) target(%dma_start3A_141 : memref<64x128xf32, #tpu.memory_space<vmem>>) offsets(%dma_start3A_144 : memref<64xi32, #tpu.memory_space<vmem>>) semaphore(%dma_start3A_149 : memref<!tpu.dma_semaphore, #tpu.memory_space<semaphore_mem>>)
    %scan3A = arith.constant 0 : i32
    %scan3A_150 = arith.constant 0 : i32
    %scan3A_151 = arith.constant 10 : i32
    %scan3A_152 = arith.addi %scan3A_150, %scan3A_151 : i32
    %scan3A_153 = arith.constant 1 : i32
    %scan3A_154 = scf.for %scan3A_365 = %scan3A_150 to %scan3A_152 step %scan3A_153 iter_args(%scan3A_366 = %scan3A) -> (i32)  : i32 {
      %mul3A_367 = arith.constant 10 : i32
      %mul3A_368 = arith.muli %scan3A_365, %mul3A_367 : i32
      %add3A_369 = arith.constant 0 : i32
      %add3A_370 = arith.addi %mul3A_368, %add3A_369 : i32
      %dma_wait3A_371 = arith.constant 0 : i32
      %dma_wait3A_372 = arith.constant 0 : i32
      %dma_wait3A_373 = arith.constant 0 : i32
      %dma_wait3A_374 = arith.constant 0 : i32
      %dma_wait3A_375 = arith.constant 0 : i32
      %dma_wait3A_376 = tpu.memref_slice %arg6[%dma_wait3A_372, %dma_wait3A_374, %dma_wait3A_375] : memref<10x64x128xf32, #tpu.memory_space<vmem>> -> memref<1x64x128xf32, #tpu.memory_space<vmem>>
      %dma_wait3A_377 = tpu.memref_squeeze %dma_wait3A_376 : memref<1x64x128xf32, #tpu.memory_space<vmem>> -> memref<64x128xf32, #tpu.memory_space<vmem>>
      %dma_wait3A_378 = arith.constant 0 : i32
      %dma_wait3A_379 = tpu.memref_slice %arg5[%dma_wait3A_371, %dma_wait3A_378] : memref<100x64xi32, #tpu.memory_space<vmem>> -> memref<1x64xi32, #tpu.memory_space<vmem>>
      %dma_wait3A_380 = tpu.memref_squeeze %dma_wait3A_379 : memref<1x64xi32, #tpu.memory_space<vmem>> -> memref<64xi32, #tpu.memory_space<vmem>>
      %dma_wait3A_381 = arith.constant 0 : i32
      %dma_wait3A_382 = arith.constant 0 : i32
      %dma_wait3A_383 = tpu.memref_slice %arg3[%dma_wait3A_381, %dma_wait3A_382] : memref<100000x128xf32, #tpu.memory_space<hbm>> -> memref<100000x128xf32, #tpu.memory_space<hbm>>
      %dma_wait3A_384 = tpu.memref_slice %arg7[%dma_wait3A_373] : memref<10x!tpu.dma_semaphore, #tpu.memory_space<semaphore_mem>> -> memref<1x!tpu.dma_semaphore, #tpu.memory_space<semaphore_mem>>
      %dma_wait3A_385 = tpu.memref_squeeze %dma_wait3A_384 : memref<1x!tpu.dma_semaphore, #tpu.memory_space<semaphore_mem>> -> memref<!tpu.dma_semaphore, #tpu.memory_space<semaphore_mem>>
      tpu.wait_indirect_dma semaphore(%dma_wait3A_385 : memref<!tpu.dma_semaphore, #tpu.memory_space<semaphore_mem>>) src(%dma_wait3A_383 : memref<100000x128xf32, #tpu.memory_space<hbm>>) dst(%dma_wait3A_377 : memref<64x128xf32, #tpu.memory_space<vmem>>)
      %dma_start3A_386 = arith.constant 0 : i32
      %dma_start3A_387 = arith.constant 0 : i32
      %dma_start3A_388 = arith.constant 0 : i32
      %dma_start3A_389 = arith.constant 0 : i32
      %dma_start3A_390 = tpu.memref_slice %arg6[%dma_start3A_386, %dma_start3A_388, %dma_start3A_389] : memref<10x64x128xf32, #tpu.memory_space<vmem>> -> memref<1x64x128xf32, #tpu.memory_space<vmem>>
      %dma_start3A_391 = tpu.memref_squeeze %dma_start3A_390 : memref<1x64x128xf32, #tpu.memory_space<vmem>> -> memref<64x128xf32, #tpu.memory_space<vmem>>
      %dma_start3A_392 = arith.constant 0 : i32
      %dma_start3A_393 = arith.constant 0 : i32
      %dma_start3A_394 = tpu.memref_slice %arg4[%add3A, %add3A_370, %dma_start3A_392, %dma_start3A_393] : memref<32x100x64x128xf32, #tpu.memory_space<hbm>> -> memref<1x1x64x128xf32, #tpu.memory_space<hbm>>
      %dma_start3A_395 = tpu.memref_squeeze %dma_start3A_394 : memref<1x1x64x128xf32, #tpu.memory_space<hbm>> -> memref<64x128xf32, #tpu.memory_space<hbm>>
      %dma_start3A_396 = tpu.memref_slice %arg8[%dma_start3A_387] : memref<10x!tpu.dma_semaphore, #tpu.memory_space<semaphore_mem>> -> memref<1x!tpu.dma_semaphore, #tpu.memory_space<semaphore_mem>>
      %dma_start3A_397 = tpu.memref_squeeze %dma_start3A_396 : memref<1x!tpu.dma_semaphore, #tpu.memory_space<semaphore_mem>> -> memref<!tpu.dma_semaphore, #tpu.memory_space<semaphore_mem>>
      %dma_start3A_398 = arith.constant 0 : i32
      %dma_start3A_399 = arith.constant 0 : i32
      %dma_start3A_400 = tpu.memref_slice %arg4[%add3A, %add3A_370, %dma_start3A_398, %dma_start3A_399] : memref<32x100x64x128xf32, #tpu.memory_space<hbm>> -> memref<1x1x64x128xf32, #tpu.memory_space<hbm>>
      %dma_start3A_401 = tpu.memref_squeeze %dma_start3A_400 : memref<1x1x64x128xf32, #tpu.memory_space<hbm>> -> memref<64x128xf32, #tpu.memory_space<hbm>>
      %dma_start3A_402 = arith.constant 0 : i32
      %dma_start3A_403 = arith.constant 0 : i32
      %dma_start3A_404 = tpu.memref_slice %arg6[%dma_start3A_386, %dma_start3A_402, %dma_start3A_403] : memref<10x64x128xf32, #tpu.memory_space<vmem>> -> memref<1x64x128xf32, #tpu.memory_space<vmem>>
      %dma_start3A_405 = tpu.memref_squeeze %dma_start3A_404 : memref<1x64x128xf32, #tpu.memory_space<vmem>> -> memref<64x128xf32, #tpu.memory_space<vmem>>
      tpu.enqueue_dma source(%dma_start3A_405 : memref<64x128xf32, #tpu.memory_space<vmem>>) target(%dma_start3A_401 : memref<64x128xf32, #tpu.memory_space<hbm>>) target_semaphore(%dma_start3A_397 : memref<!tpu.dma_semaphore, #tpu.memory_space<semaphore_mem>>)
      %ge3A = arith.constant 1 : i32
      %ge3A_406 = arith.cmpi sge, %add3A_370, %ge3A : i32
      %add3A_407 = arith.constant 10 : i32
      %add3A_408 = arith.addi %add3A_370, %add3A_407 : i32
      %sub3A = arith.constant 1 : i32
      %sub3A_409 = arith.subi %add3A_408, %sub3A : i32
      %lt3A = arith.constant 100 : i32
      %lt3A_410 = arith.cmpi slt, %sub3A_409, %lt3A : i32
      %and3A = arith.andi %ge3A_406, %lt3A_410 : i1
      %convert_element_type3A = arith.extui %and3A : i1 to i32
      %cond3A = arith.constant 0 : i32
      %cond3A_411 = arith.cmpi ne, %convert_element_type3A, %cond3A : i32
      scf.if %cond3A_411 {
        %dma_wait3A_872 = arith.constant 9 : i32
        %dma_wait3A_873 = arith.constant 0 : i32
        %dma_wait3A_874 = arith.constant 9 : i32
        %dma_wait3A_875 = arith.constant 0 : i32
        %dma_wait3A_876 = arith.constant 0 : i32
        %dma_wait3A_877 = tpu.memref_slice %arg6[%dma_wait3A_872, %dma_wait3A_875, %dma_wait3A_876] : memref<10x64x128xf32, #tpu.memory_space<vmem>> -> memref<1x64x128xf32, #tpu.memory_space<vmem>>
        %dma_wait3A_878 = tpu.memref_squeeze %dma_wait3A_877 : memref<1x64x128xf32, #tpu.memory_space<vmem>> -> memref<64x128xf32, #tpu.memory_space<vmem>>
        %dma_wait3A_879 = arith.constant 0 : i32
        %dma_wait3A_880 = arith.constant 0 : i32
        %dma_wait3A_881 = tpu.memref_slice %arg4[%add3A, %dma_wait3A_873, %dma_wait3A_879, %dma_wait3A_880] : memref<32x100x64x128xf32, #tpu.memory_space<hbm>> -> memref<1x1x64x128xf32, #tpu.memory_space<hbm>>
        %dma_wait3A_882 = tpu.memref_squeeze %dma_wait3A_881 : memref<1x1x64x128xf32, #tpu.memory_space<hbm>> -> memref<64x128xf32, #tpu.memory_space<hbm>>
        %dma_wait3A_883 = tpu.memref_slice %arg8[%dma_wait3A_874] : memref<10x!tpu.dma_semaphore, #tpu.memory_space<semaphore_mem>> -> memref<1x!tpu.dma_semaphore, #tpu.memory_space<semaphore_mem>>
        %dma_wait3A_884 = tpu.memref_squeeze %dma_wait3A_883 : memref<1x!tpu.dma_semaphore, #tpu.memory_space<semaphore_mem>> -> memref<!tpu.dma_semaphore, #tpu.memory_space<semaphore_mem>>
        %dma_wait3A_885 = arith.constant 0 : i32
        %dma_wait3A_886 = arith.constant 0 : i32
        %dma_wait3A_887 = tpu.memref_slice %arg4[%add3A, %dma_wait3A_873, %dma_wait3A_885, %dma_wait3A_886] : memref<32x100x64x128xf32, #tpu.memory_space<hbm>> -> memref<1x1x64x128xf32, #tpu.memory_space<hbm>>
        %dma_wait3A_888 = tpu.memref_squeeze %dma_wait3A_887 : memref<1x1x64x128xf32, #tpu.memory_space<hbm>> -> memref<64x128xf32, #tpu.memory_space<hbm>>
        %dma_wait3A_889 = arith.constant 0 : i32
        %dma_wait3A_890 = arith.constant 0 : i32
        %dma_wait3A_891 = tpu.memref_slice %arg6[%dma_wait3A_872, %dma_wait3A_889, %dma_wait3A_890] : memref<10x64x128xf32, #tpu.memory_space<vmem>> -> memref<1x64x128xf32, #tpu.memory_space<vmem>>
        %dma_wait3A_892 = tpu.memref_squeeze %dma_wait3A_891 : memref<1x64x128xf32, #tpu.memory_space<vmem>> -> memref<64x128xf32, #tpu.memory_space<vmem>>
        tpu.wait_dma2 semaphore(%dma_wait3A_884 : memref<!tpu.dma_semaphore, #tpu.memory_space<semaphore_mem>>) src(%dma_wait3A_892 : memref<64x128xf32, #tpu.memory_space<vmem>>) dst(%dma_wait3A_888 : memref<64x128xf32, #tpu.memory_space<hbm>>)
        %add3A_893 = arith.constant 10 : i32
        %add3A_894 = arith.addi %add3A_370, %add3A_893 : i32
        %sub3A_895 = arith.constant 1 : i32
        %sub3A_896 = arith.subi %add3A_894, %sub3A_895 : i32
        %dma_start3A_897 = arith.constant 9 : i32
        %dma_start3A_898 = arith.constant 9 : i32
        %dma_start3A_899 = arith.constant 0 : i32
        %dma_start3A_900 = arith.constant 0 : i32
        %dma_start3A_901 = tpu.memref_slice %arg6[%dma_start3A_897, %dma_start3A_899, %dma_start3A_900] : memref<10x64x128xf32, #tpu.memory_space<vmem>> -> memref<1x64x128xf32, #tpu.memory_space<vmem>>
        %dma_start3A_902 = tpu.memref_squeeze %dma_start3A_901 : memref<1x64x128xf32, #tpu.memory_space<vmem>> -> memref<64x128xf32, #tpu.memory_space<vmem>>
        %dma_start3A_903 = arith.constant 0 : i32
        %dma_start3A_904 = tpu.memref_slice %arg5[%sub3A_896, %dma_start3A_903] : memref<100x64xi32, #tpu.memory_space<vmem>> -> memref<1x64xi32, #tpu.memory_space<vmem>>
        %dma_start3A_905 = tpu.memref_squeeze %dma_start3A_904 : memref<1x64xi32, #tpu.memory_space<vmem>> -> memref<64xi32, #tpu.memory_space<vmem>>
        %dma_start3A_906 = arith.constant 0 : i32
        %dma_start3A_907 = arith.constant 0 : i32
        %dma_start3A_908 = tpu.memref_slice %arg3[%dma_start3A_906, %dma_start3A_907] : memref<100000x128xf32, #tpu.memory_space<hbm>> -> memref<100000x128xf32, #tpu.memory_space<hbm>>
        %dma_start3A_909 = tpu.memref_slice %arg7[%dma_start3A_898] : memref<10x!tpu.dma_semaphore, #tpu.memory_space<semaphore_mem>> -> memref<1x!tpu.dma_semaphore, #tpu.memory_space<semaphore_mem>>
        %dma_start3A_910 = tpu.memref_squeeze %dma_start3A_909 : memref<1x!tpu.dma_semaphore, #tpu.memory_space<semaphore_mem>> -> memref<!tpu.dma_semaphore, #tpu.memory_space<semaphore_mem>>
        tpu.enqueue_indirect_dma source(%dma_start3A_908 : memref<100000x128xf32, #tpu.memory_space<hbm>>) target(%dma_start3A_902 : memref<64x128xf32, #tpu.memory_space<vmem>>) offsets(%dma_start3A_905 : memref<64xi32, #tpu.memory_space<vmem>>) semaphore(%dma_start3A_910 : memref<!tpu.dma_semaphore, #tpu.memory_space<semaphore_mem>>)
      } else {
      }
      %mul3A_412 = arith.constant 10 : i32
      %mul3A_413 = arith.muli %scan3A_365, %mul3A_412 : i32
      %add3A_414 = arith.constant 1 : i32
      %add3A_415 = arith.addi %mul3A_413, %add3A_414 : i32
      %dma_wait3A_416 = arith.constant 0 : i32
      %dma_wait3A_417 = arith.constant 1 : i32
      %dma_wait3A_418 = arith.constant 1 : i32
      %dma_wait3A_419 = arith.constant 0 : i32
      %dma_wait3A_420 = arith.constant 0 : i32
      %dma_wait3A_421 = tpu.memref_slice %arg6[%dma_wait3A_417, %dma_wait3A_419, %dma_wait3A_420] : memref<10x64x128xf32, #tpu.memory_space<vmem>> -> memref<1x64x128xf32, #tpu.memory_space<vmem>>
      %dma_wait3A_422 = tpu.memref_squeeze %dma_wait3A_421 : memref<1x64x128xf32, #tpu.memory_space<vmem>> -> memref<64x128xf32, #tpu.memory_space<vmem>>
      %dma_wait3A_423 = arith.constant 0 : i32
      %dma_wait3A_424 = tpu.memref_slice %arg5[%dma_wait3A_416, %dma_wait3A_423] : memref<100x64xi32, #tpu.memory_space<vmem>> -> memref<1x64xi32, #tpu.memory_space<vmem>>
      %dma_wait3A_425 = tpu.memref_squeeze %dma_wait3A_424 : memref<1x64xi32, #tpu.memory_space<vmem>> -> memref<64xi32, #tpu.memory_space<vmem>>
      %dma_wait3A_426 = arith.constant 0 : i32
      %dma_wait3A_427 = arith.constant 0 : i32
      %dma_wait3A_428 = tpu.memref_slice %arg3[%dma_wait3A_426, %dma_wait3A_427] : memref<100000x128xf32, #tpu.memory_space<hbm>> -> memref<100000x128xf32, #tpu.memory_space<hbm>>
      %dma_wait3A_429 = tpu.memref_slice %arg7[%dma_wait3A_418] : memref<10x!tpu.dma_semaphore, #tpu.memory_space<semaphore_mem>> -> memref<1x!tpu.dma_semaphore, #tpu.memory_space<semaphore_mem>>
      %dma_wait3A_430 = tpu.memref_squeeze %dma_wait3A_429 : memref<1x!tpu.dma_semaphore, #tpu.memory_space<semaphore_mem>> -> memref<!tpu.dma_semaphore, #tpu.memory_space<semaphore_mem>>
      tpu.wait_indirect_dma semaphore(%dma_wait3A_430 : memref<!tpu.dma_semaphore, #tpu.memory_space<semaphore_mem>>) src(%dma_wait3A_428 : memref<100000x128xf32, #tpu.memory_space<hbm>>) dst(%dma_wait3A_422 : memref<64x128xf32, #tpu.memory_space<vmem>>)
      %dma_start3A_431 = arith.constant 1 : i32
      %dma_start3A_432 = arith.constant 1 : i32
      %dma_start3A_433 = arith.constant 0 : i32
      %dma_start3A_434 = arith.constant 0 : i32
      %dma_start3A_435 = tpu.memref_slice %arg6[%dma_start3A_431, %dma_start3A_433, %dma_start3A_434] : memref<10x64x128xf32, #tpu.memory_space<vmem>> -> memref<1x64x128xf32, #tpu.memory_space<vmem>>
      %dma_start3A_436 = tpu.memref_squeeze %dma_start3A_435 : memref<1x64x128xf32, #tpu.memory_space<vmem>> -> memref<64x128xf32, #tpu.memory_space<vmem>>
      %dma_start3A_437 = arith.constant 0 : i32
      %dma_start3A_438 = arith.constant 0 : i32
      %dma_start3A_439 = tpu.memref_slice %arg4[%add3A, %add3A_415, %dma_start3A_437, %dma_start3A_438] : memref<32x100x64x128xf32, #tpu.memory_space<hbm>> -> memref<1x1x64x128xf32, #tpu.memory_space<hbm>>
      %dma_start3A_440 = tpu.memref_squeeze %dma_start3A_439 : memref<1x1x64x128xf32, #tpu.memory_space<hbm>> -> memref<64x128xf32, #tpu.memory_space<hbm>>
      %dma_start3A_441 = tpu.memref_slice %arg8[%dma_start3A_432] : memref<10x!tpu.dma_semaphore, #tpu.memory_space<semaphore_mem>> -> memref<1x!tpu.dma_semaphore, #tpu.memory_space<semaphore_mem>>
      %dma_start3A_442 = tpu.memref_squeeze %dma_start3A_441 : memref<1x!tpu.dma_semaphore, #tpu.memory_space<semaphore_mem>> -> memref<!tpu.dma_semaphore, #tpu.memory_space<semaphore_mem>>
      %dma_start3A_443 = arith.constant 0 : i32
      %dma_start3A_444 = arith.constant 0 : i32
      %dma_start3A_445 = tpu.memref_slice %arg4[%add3A, %add3A_415, %dma_start3A_443, %dma_start3A_444] : memref<32x100x64x128xf32, #tpu.memory_space<hbm>> -> memref<1x1x64x128xf32, #tpu.memory_space<hbm>>
      %dma_start3A_446 = tpu.memref_squeeze %dma_start3A_445 : memref<1x1x64x128xf32, #tpu.memory_space<hbm>> -> memref<64x128xf32, #tpu.memory_space<hbm>>
      %dma_start3A_447 = arith.constant 0 : i32
      %dma_start3A_448 = arith.constant 0 : i32
      %dma_start3A_449 = tpu.memref_slice %arg6[%dma_start3A_431, %dma_start3A_447, %dma_start3A_448] : memref<10x64x128xf32, #tpu.memory_space<vmem>> -> memref<1x64x128xf32, #tpu.memory_space<vmem>>
      %dma_start3A_450 = tpu.memref_squeeze %dma_start3A_449 : memref<1x64x128xf32, #tpu.memory_space<vmem>> -> memref<64x128xf32, #tpu.memory_space<vmem>>
      tpu.enqueue_dma source(%dma_start3A_450 : memref<64x128xf32, #tpu.memory_space<vmem>>) target(%dma_start3A_446 : memref<64x128xf32, #tpu.memory_space<hbm>>) target_semaphore(%dma_start3A_442 : memref<!tpu.dma_semaphore, #tpu.memory_space<semaphore_mem>>)
      %ge3A_451 = arith.constant 1 : i32
      %ge3A_452 = arith.cmpi sge, %add3A_415, %ge3A_451 : i32
      %add3A_453 = arith.constant 10 : i32
      %add3A_454 = arith.addi %add3A_415, %add3A_453 : i32
      %sub3A_455 = arith.constant 1 : i32
      %sub3A_456 = arith.subi %add3A_454, %sub3A_455 : i32
      %lt3A_457 = arith.constant 100 : i32
      %lt3A_458 = arith.cmpi slt, %sub3A_456, %lt3A_457 : i32
      %and3A_459 = arith.andi %ge3A_452, %lt3A_458 : i1
      %convert_element_type3A_460 = arith.extui %and3A_459 : i1 to i32
      %cond3A_461 = arith.constant 0 : i32
      %cond3A_462 = arith.cmpi ne, %convert_element_type3A_460, %cond3A_461 : i32
      scf.if %cond3A_462 {
        %dma_wait3A_872 = arith.constant 0 : i32
        %dma_wait3A_873 = arith.constant 0 : i32
        %dma_wait3A_874 = arith.constant 0 : i32
        %dma_wait3A_875 = arith.constant 0 : i32
        %dma_wait3A_876 = arith.constant 0 : i32
        %dma_wait3A_877 = tpu.memref_slice %arg6[%dma_wait3A_872, %dma_wait3A_875, %dma_wait3A_876] : memref<10x64x128xf32, #tpu.memory_space<vmem>> -> memref<1x64x128xf32, #tpu.memory_space<vmem>>
        %dma_wait3A_878 = tpu.memref_squeeze %dma_wait3A_877 : memref<1x64x128xf32, #tpu.memory_space<vmem>> -> memref<64x128xf32, #tpu.memory_space<vmem>>
        %dma_wait3A_879 = arith.constant 0 : i32
        %dma_wait3A_880 = arith.constant 0 : i32
        %dma_wait3A_881 = tpu.memref_slice %arg4[%add3A, %dma_wait3A_873, %dma_wait3A_879, %dma_wait3A_880] : memref<32x100x64x128xf32, #tpu.memory_space<hbm>> -> memref<1x1x64x128xf32, #tpu.memory_space<hbm>>
        %dma_wait3A_882 = tpu.memref_squeeze %dma_wait3A_881 : memref<1x1x64x128xf32, #tpu.memory_space<hbm>> -> memref<64x128xf32, #tpu.memory_space<hbm>>
        %dma_wait3A_883 = tpu.memref_slice %arg8[%dma_wait3A_874] : memref<10x!tpu.dma_semaphore, #tpu.memory_space<semaphore_mem>> -> memref<1x!tpu.dma_semaphore, #tpu.memory_space<semaphore_mem>>
        %dma_wait3A_884 = tpu.memref_squeeze %dma_wait3A_883 : memref<1x!tpu.dma_semaphore, #tpu.memory_space<semaphore_mem>> -> memref<!tpu.dma_semaphore, #tpu.memory_space<semaphore_mem>>
        %dma_wait3A_885 = arith.constant 0 : i32
        %dma_wait3A_886 = arith.constant 0 : i32
        %dma_wait3A_887 = tpu.memref_slice %arg4[%add3A, %dma_wait3A_873, %dma_wait3A_885, %dma_wait3A_886] : memref<32x100x64x128xf32, #tpu.memory_space<hbm>> -> memref<1x1x64x128xf32, #tpu.memory_space<hbm>>
        %dma_wait3A_888 = tpu.memref_squeeze %dma_wait3A_887 : memref<1x1x64x128xf32, #tpu.memory_space<hbm>> -> memref<64x128xf32, #tpu.memory_space<hbm>>
        %dma_wait3A_889 = arith.constant 0 : i32
        %dma_wait3A_890 = arith.constant 0 : i32
        %dma_wait3A_891 = tpu.memref_slice %arg6[%dma_wait3A_872, %dma_wait3A_889, %dma_wait3A_890] : memref<10x64x128xf32, #tpu.memory_space<vmem>> -> memref<1x64x128xf32, #tpu.memory_space<vmem>>
        %dma_wait3A_892 = tpu.memref_squeeze %dma_wait3A_891 : memref<1x64x128xf32, #tpu.memory_space<vmem>> -> memref<64x128xf32, #tpu.memory_space<vmem>>
        tpu.wait_dma2 semaphore(%dma_wait3A_884 : memref<!tpu.dma_semaphore, #tpu.memory_space<semaphore_mem>>) src(%dma_wait3A_892 : memref<64x128xf32, #tpu.memory_space<vmem>>) dst(%dma_wait3A_888 : memref<64x128xf32, #tpu.memory_space<hbm>>)
        %add3A_893 = arith.constant 10 : i32
        %add3A_894 = arith.addi %add3A_415, %add3A_893 : i32
        %sub3A_895 = arith.constant 1 : i32
        %sub3A_896 = arith.subi %add3A_894, %sub3A_895 : i32
        %dma_start3A_897 = arith.constant 0 : i32
        %dma_start3A_898 = arith.constant 0 : i32
        %dma_start3A_899 = arith.constant 0 : i32
        %dma_start3A_900 = arith.constant 0 : i32
        %dma_start3A_901 = tpu.memref_slice %arg6[%dma_start3A_897, %dma_start3A_899, %dma_start3A_900] : memref<10x64x128xf32, #tpu.memory_space<vmem>> -> memref<1x64x128xf32, #tpu.memory_space<vmem>>
        %dma_start3A_902 = tpu.memref_squeeze %dma_start3A_901 : memref<1x64x128xf32, #tpu.memory_space<vmem>> -> memref<64x128xf32, #tpu.memory_space<vmem>>
        %dma_start3A_903 = arith.constant 0 : i32
        %dma_start3A_904 = tpu.memref_slice %arg5[%sub3A_896, %dma_start3A_903] : memref<100x64xi32, #tpu.memory_space<vmem>> -> memref<1x64xi32, #tpu.memory_space<vmem>>
        %dma_start3A_905 = tpu.memref_squeeze %dma_start3A_904 : memref<1x64xi32, #tpu.memory_space<vmem>> -> memref<64xi32, #tpu.memory_space<vmem>>
        %dma_start3A_906 = arith.constant 0 : i32
        %dma_start3A_907 = arith.constant 0 : i32
        %dma_start3A_908 = tpu.memref_slice %arg3[%dma_start3A_906, %dma_start3A_907] : memref<100000x128xf32, #tpu.memory_space<hbm>> -> memref<100000x128xf32, #tpu.memory_space<hbm>>
        %dma_start3A_909 = tpu.memref_slice %arg7[%dma_start3A_898] : memref<10x!tpu.dma_semaphore, #tpu.memory_space<semaphore_mem>> -> memref<1x!tpu.dma_semaphore, #tpu.memory_space<semaphore_mem>>
        %dma_start3A_910 = tpu.memref_squeeze %dma_start3A_909 : memref<1x!tpu.dma_semaphore, #tpu.memory_space<semaphore_mem>> -> memref<!tpu.dma_semaphore, #tpu.memory_space<semaphore_mem>>
        tpu.enqueue_indirect_dma source(%dma_start3A_908 : memref<100000x128xf32, #tpu.memory_space<hbm>>) target(%dma_start3A_902 : memref<64x128xf32, #tpu.memory_space<vmem>>) offsets(%dma_start3A_905 : memref<64xi32, #tpu.memory_space<vmem>>) semaphore(%dma_start3A_910 : memref<!tpu.dma_semaphore, #tpu.memory_space<semaphore_mem>>)
      } else {
      }
      %mul3A_463 = arith.constant 10 : i32
      %mul3A_464 = arith.muli %scan3A_365, %mul3A_463 : i32
      %add3A_465 = arith.constant 2 : i32
      %add3A_466 = arith.addi %mul3A_464, %add3A_465 : i32
      %dma_wait3A_467 = arith.constant 0 : i32
      %dma_wait3A_468 = arith.constant 2 : i32
      %dma_wait3A_469 = arith.constant 2 : i32
      %dma_wait3A_470 = arith.constant 0 : i32
      %dma_wait3A_471 = arith.constant 0 : i32
      %dma_wait3A_472 = tpu.memref_slice %arg6[%dma_wait3A_468, %dma_wait3A_470, %dma_wait3A_471] : memref<10x64x128xf32, #tpu.memory_space<vmem>> -> memref<1x64x128xf32, #tpu.memory_space<vmem>>
      %dma_wait3A_473 = tpu.memref_squeeze %dma_wait3A_472 : memref<1x64x128xf32, #tpu.memory_space<vmem>> -> memref<64x128xf32, #tpu.memory_space<vmem>>
      %dma_wait3A_474 = arith.constant 0 : i32
      %dma_wait3A_475 = tpu.memref_slice %arg5[%dma_wait3A_467, %dma_wait3A_474] : memref<100x64xi32, #tpu.memory_space<vmem>> -> memref<1x64xi32, #tpu.memory_space<vmem>>
      %dma_wait3A_476 = tpu.memref_squeeze %dma_wait3A_475 : memref<1x64xi32, #tpu.memory_space<vmem>> -> memref<64xi32, #tpu.memory_space<vmem>>
      %dma_wait3A_477 = arith.constant 0 : i32
      %dma_wait3A_478 = arith.constant 0 : i32
      %dma_wait3A_479 = tpu.memref_slice %arg3[%dma_wait3A_477, %dma_wait3A_478] : memref<100000x128xf32, #tpu.memory_space<hbm>> -> memref<100000x128xf32, #tpu.memory_space<hbm>>
      %dma_wait3A_480 = tpu.memref_slice %arg7[%dma_wait3A_469] : memref<10x!tpu.dma_semaphore, #tpu.memory_space<semaphore_mem>> -> memref<1x!tpu.dma_semaphore, #tpu.memory_space<semaphore_mem>>
      %dma_wait3A_481 = tpu.memref_squeeze %dma_wait3A_480 : memref<1x!tpu.dma_semaphore, #tpu.memory_space<semaphore_mem>> -> memref<!tpu.dma_semaphore, #tpu.memory_space<semaphore_mem>>
      tpu.wait_indirect_dma semaphore(%dma_wait3A_481 : memref<!tpu.dma_semaphore, #tpu.memory_space<semaphore_mem>>) src(%dma_wait3A_479 : memref<100000x128xf32, #tpu.memory_space<hbm>>) dst(%dma_wait3A_473 : memref<64x128xf32, #tpu.memory_space<vmem>>)
      %dma_start3A_482 = arith.constant 2 : i32
      %dma_start3A_483 = arith.constant 2 : i32
      %dma_start3A_484 = arith.constant 0 : i32
      %dma_start3A_485 = arith.constant 0 : i32
      %dma_start3A_486 = tpu.memref_slice %arg6[%dma_start3A_482, %dma_start3A_484, %dma_start3A_485] : memref<10x64x128xf32, #tpu.memory_space<vmem>> -> memref<1x64x128xf32, #tpu.memory_space<vmem>>
      %dma_start3A_487 = tpu.memref_squeeze %dma_start3A_486 : memref<1x64x128xf32, #tpu.memory_space<vmem>> -> memref<64x128xf32, #tpu.memory_space<vmem>>
      %dma_start3A_488 = arith.constant 0 : i32
      %dma_start3A_489 = arith.constant 0 : i32
      %dma_start3A_490 = tpu.memref_slice %arg4[%add3A, %add3A_466, %dma_start3A_488, %dma_start3A_489] : memref<32x100x64x128xf32, #tpu.memory_space<hbm>> -> memref<1x1x64x128xf32, #tpu.memory_space<hbm>>
      %dma_start3A_491 = tpu.memref_squeeze %dma_start3A_490 : memref<1x1x64x128xf32, #tpu.memory_space<hbm>> -> memref<64x128xf32, #tpu.memory_space<hbm>>
      %dma_start3A_492 = tpu.memref_slice %arg8[%dma_start3A_483] : memref<10x!tpu.dma_semaphore, #tpu.memory_space<semaphore_mem>> -> memref<1x!tpu.dma_semaphore, #tpu.memory_space<semaphore_mem>>
      %dma_start3A_493 = tpu.memref_squeeze %dma_start3A_492 : memref<1x!tpu.dma_semaphore, #tpu.memory_space<semaphore_mem>> -> memref<!tpu.dma_semaphore, #tpu.memory_space<semaphore_mem>>
      %dma_start3A_494 = arith.constant 0 : i32
      %dma_start3A_495 = arith.constant 0 : i32
      %dma_start3A_496 = tpu.memref_slice %arg4[%add3A, %add3A_466, %dma_start3A_494, %dma_start3A_495] : memref<32x100x64x128xf32, #tpu.memory_space<hbm>> -> memref<1x1x64x128xf32, #tpu.memory_space<hbm>>
      %dma_start3A_497 = tpu.memref_squeeze %dma_start3A_496 : memref<1x1x64x128xf32, #tpu.memory_space<hbm>> -> memref<64x128xf32, #tpu.memory_space<hbm>>
      %dma_start3A_498 = arith.constant 0 : i32
      %dma_start3A_499 = arith.constant 0 : i32
      %dma_start3A_500 = tpu.memref_slice %arg6[%dma_start3A_482, %dma_start3A_498, %dma_start3A_499] : memref<10x64x128xf32, #tpu.memory_space<vmem>> -> memref<1x64x128xf32, #tpu.memory_space<vmem>>
      %dma_start3A_501 = tpu.memref_squeeze %dma_start3A_500 : memref<1x64x128xf32, #tpu.memory_space<vmem>> -> memref<64x128xf32, #tpu.memory_space<vmem>>
      tpu.enqueue_dma source(%dma_start3A_501 : memref<64x128xf32, #tpu.memory_space<vmem>>) target(%dma_start3A_497 : memref<64x128xf32, #tpu.memory_space<hbm>>) target_semaphore(%dma_start3A_493 : memref<!tpu.dma_semaphore, #tpu.memory_space<semaphore_mem>>)
      %ge3A_502 = arith.constant 1 : i32
      %ge3A_503 = arith.cmpi sge, %add3A_466, %ge3A_502 : i32
      %add3A_504 = arith.constant 10 : i32
      %add3A_505 = arith.addi %add3A_466, %add3A_504 : i32
      %sub3A_506 = arith.constant 1 : i32
      %sub3A_507 = arith.subi %add3A_505, %sub3A_506 : i32
      %lt3A_508 = arith.constant 100 : i32
      %lt3A_509 = arith.cmpi slt, %sub3A_507, %lt3A_508 : i32
      %and3A_510 = arith.andi %ge3A_503, %lt3A_509 : i1
      %convert_element_type3A_511 = arith.extui %and3A_510 : i1 to i32
      %cond3A_512 = arith.constant 0 : i32
      %cond3A_513 = arith.cmpi ne, %convert_element_type3A_511, %cond3A_512 : i32
      scf.if %cond3A_513 {
        %dma_wait3A_872 = arith.constant 1 : i32
        %dma_wait3A_873 = arith.constant 0 : i32
        %dma_wait3A_874 = arith.constant 1 : i32
        %dma_wait3A_875 = arith.constant 0 : i32
        %dma_wait3A_876 = arith.constant 0 : i32
        %dma_wait3A_877 = tpu.memref_slice %arg6[%dma_wait3A_872, %dma_wait3A_875, %dma_wait3A_876] : memref<10x64x128xf32, #tpu.memory_space<vmem>> -> memref<1x64x128xf32, #tpu.memory_space<vmem>>
        %dma_wait3A_878 = tpu.memref_squeeze %dma_wait3A_877 : memref<1x64x128xf32, #tpu.memory_space<vmem>> -> memref<64x128xf32, #tpu.memory_space<vmem>>
        %dma_wait3A_879 = arith.constant 0 : i32
        %dma_wait3A_880 = arith.constant 0 : i32
        %dma_wait3A_881 = tpu.memref_slice %arg4[%add3A, %dma_wait3A_873, %dma_wait3A_879, %dma_wait3A_880] : memref<32x100x64x128xf32, #tpu.memory_space<hbm>> -> memref<1x1x64x128xf32, #tpu.memory_space<hbm>>
        %dma_wait3A_882 = tpu.memref_squeeze %dma_wait3A_881 : memref<1x1x64x128xf32, #tpu.memory_space<hbm>> -> memref<64x128xf32, #tpu.memory_space<hbm>>
        %dma_wait3A_883 = tpu.memref_slice %arg8[%dma_wait3A_874] : memref<10x!tpu.dma_semaphore, #tpu.memory_space<semaphore_mem>> -> memref<1x!tpu.dma_semaphore, #tpu.memory_space<semaphore_mem>>
        %dma_wait3A_884 = tpu.memref_squeeze %dma_wait3A_883 : memref<1x!tpu.dma_semaphore, #tpu.memory_space<semaphore_mem>> -> memref<!tpu.dma_semaphore, #tpu.memory_space<semaphore_mem>>
        %dma_wait3A_885 = arith.constant 0 : i32
        %dma_wait3A_886 = arith.constant 0 : i32
        %dma_wait3A_887 = tpu.memref_slice %arg4[%add3A, %dma_wait3A_873, %dma_wait3A_885, %dma_wait3A_886] : memref<32x100x64x128xf32, #tpu.memory_space<hbm>> -> memref<1x1x64x128xf32, #tpu.memory_space<hbm>>
        %dma_wait3A_888 = tpu.memref_squeeze %dma_wait3A_887 : memref<1x1x64x128xf32, #tpu.memory_space<hbm>> -> memref<64x128xf32, #tpu.memory_space<hbm>>
        %dma_wait3A_889 = arith.constant 0 : i32
        %dma_wait3A_890 = arith.constant 0 : i32
        %dma_wait3A_891 = tpu.memref_slice %arg6[%dma_wait3A_872, %dma_wait3A_889, %dma_wait3A_890] : memref<10x64x128xf32, #tpu.memory_space<vmem>> -> memref<1x64x128xf32, #tpu.memory_space<vmem>>
        %dma_wait3A_892 = tpu.memref_squeeze %dma_wait3A_891 : memref<1x64x128xf32, #tpu.memory_space<vmem>> -> memref<64x128xf32, #tpu.memory_space<vmem>>
        tpu.wait_dma2 semaphore(%dma_wait3A_884 : memref<!tpu.dma_semaphore, #tpu.memory_space<semaphore_mem>>) src(%dma_wait3A_892 : memref<64x128xf32, #tpu.memory_space<vmem>>) dst(%dma_wait3A_888 : memref<64x128xf32, #tpu.memory_space<hbm>>)
        %add3A_893 = arith.constant 10 : i32
        %add3A_894 = arith.addi %add3A_466, %add3A_893 : i32
        %sub3A_895 = arith.constant 1 : i32
        %sub3A_896 = arith.subi %add3A_894, %sub3A_895 : i32
        %dma_start3A_897 = arith.constant 1 : i32
        %dma_start3A_898 = arith.constant 1 : i32
        %dma_start3A_899 = arith.constant 0 : i32
        %dma_start3A_900 = arith.constant 0 : i32
        %dma_start3A_901 = tpu.memref_slice %arg6[%dma_start3A_897, %dma_start3A_899, %dma_start3A_900] : memref<10x64x128xf32, #tpu.memory_space<vmem>> -> memref<1x64x128xf32, #tpu.memory_space<vmem>>
        %dma_start3A_902 = tpu.memref_squeeze %dma_start3A_901 : memref<1x64x128xf32, #tpu.memory_space<vmem>> -> memref<64x128xf32, #tpu.memory_space<vmem>>
        %dma_start3A_903 = arith.constant 0 : i32
        %dma_start3A_904 = tpu.memref_slice %arg5[%sub3A_896, %dma_start3A_903] : memref<100x64xi32, #tpu.memory_space<vmem>> -> memref<1x64xi32, #tpu.memory_space<vmem>>
        %dma_start3A_905 = tpu.memref_squeeze %dma_start3A_904 : memref<1x64xi32, #tpu.memory_space<vmem>> -> memref<64xi32, #tpu.memory_space<vmem>>
        %dma_start3A_906 = arith.constant 0 : i32
        %dma_start3A_907 = arith.constant 0 : i32
        %dma_start3A_908 = tpu.memref_slice %arg3[%dma_start3A_906, %dma_start3A_907] : memref<100000x128xf32, #tpu.memory_space<hbm>> -> memref<100000x128xf32, #tpu.memory_space<hbm>>
        %dma_start3A_909 = tpu.memref_slice %arg7[%dma_start3A_898] : memref<10x!tpu.dma_semaphore, #tpu.memory_space<semaphore_mem>> -> memref<1x!tpu.dma_semaphore, #tpu.memory_space<semaphore_mem>>
        %dma_start3A_910 = tpu.memref_squeeze %dma_start3A_909 : memref<1x!tpu.dma_semaphore, #tpu.memory_space<semaphore_mem>> -> memref<!tpu.dma_semaphore, #tpu.memory_space<semaphore_mem>>
        tpu.enqueue_indirect_dma source(%dma_start3A_908 : memref<100000x128xf32, #tpu.memory_space<hbm>>) target(%dma_start3A_902 : memref<64x128xf32, #tpu.memory_space<vmem>>) offsets(%dma_start3A_905 : memref<64xi32, #tpu.memory_space<vmem>>) semaphore(%dma_start3A_910 : memref<!tpu.dma_semaphore, #tpu.memory_space<semaphore_mem>>)
      } else {
      }
      %mul3A_514 = arith.constant 10 : i32
      %mul3A_515 = arith.muli %scan3A_365, %mul3A_514 : i32
      %add3A_516 = arith.constant 3 : i32
      %add3A_517 = arith.addi %mul3A_515, %add3A_516 : i32
      %dma_wait3A_518 = arith.constant 0 : i32
      %dma_wait3A_519 = arith.constant 3 : i32
      %dma_wait3A_520 = arith.constant 3 : i32
      %dma_wait3A_521 = arith.constant 0 : i32
      %dma_wait3A_522 = arith.constant 0 : i32
      %dma_wait3A_523 = tpu.memref_slice %arg6[%dma_wait3A_519, %dma_wait3A_521, %dma_wait3A_522] : memref<10x64x128xf32, #tpu.memory_space<vmem>> -> memref<1x64x128xf32, #tpu.memory_space<vmem>>
      %dma_wait3A_524 = tpu.memref_squeeze %dma_wait3A_523 : memref<1x64x128xf32, #tpu.memory_space<vmem>> -> memref<64x128xf32, #tpu.memory_space<vmem>>
      %dma_wait3A_525 = arith.constant 0 : i32
      %dma_wait3A_526 = tpu.memref_slice %arg5[%dma_wait3A_518, %dma_wait3A_525] : memref<100x64xi32, #tpu.memory_space<vmem>> -> memref<1x64xi32, #tpu.memory_space<vmem>>
      %dma_wait3A_527 = tpu.memref_squeeze %dma_wait3A_526 : memref<1x64xi32, #tpu.memory_space<vmem>> -> memref<64xi32, #tpu.memory_space<vmem>>
      %dma_wait3A_528 = arith.constant 0 : i32
      %dma_wait3A_529 = arith.constant 0 : i32
      %dma_wait3A_530 = tpu.memref_slice %arg3[%dma_wait3A_528, %dma_wait3A_529] : memref<100000x128xf32, #tpu.memory_space<hbm>> -> memref<100000x128xf32, #tpu.memory_space<hbm>>
      %dma_wait3A_531 = tpu.memref_slice %arg7[%dma_wait3A_520] : memref<10x!tpu.dma_semaphore, #tpu.memory_space<semaphore_mem>> -> memref<1x!tpu.dma_semaphore, #tpu.memory_space<semaphore_mem>>
      %dma_wait3A_532 = tpu.memref_squeeze %dma_wait3A_531 : memref<1x!tpu.dma_semaphore, #tpu.memory_space<semaphore_mem>> -> memref<!tpu.dma_semaphore, #tpu.memory_space<semaphore_mem>>
      tpu.wait_indirect_dma semaphore(%dma_wait3A_532 : memref<!tpu.dma_semaphore, #tpu.memory_space<semaphore_mem>>) src(%dma_wait3A_530 : memref<100000x128xf32, #tpu.memory_space<hbm>>) dst(%dma_wait3A_524 : memref<64x128xf32, #tpu.memory_space<vmem>>)
      %dma_start3A_533 = arith.constant 3 : i32
      %dma_start3A_534 = arith.constant 3 : i32
      %dma_start3A_535 = arith.constant 0 : i32
      %dma_start3A_536 = arith.constant 0 : i32
      %dma_start3A_537 = tpu.memref_slice %arg6[%dma_start3A_533, %dma_start3A_535, %dma_start3A_536] : memref<10x64x128xf32, #tpu.memory_space<vmem>> -> memref<1x64x128xf32, #tpu.memory_space<vmem>>
      %dma_start3A_538 = tpu.memref_squeeze %dma_start3A_537 : memref<1x64x128xf32, #tpu.memory_space<vmem>> -> memref<64x128xf32, #tpu.memory_space<vmem>>
      %dma_start3A_539 = arith.constant 0 : i32
      %dma_start3A_540 = arith.constant 0 : i32
      %dma_start3A_541 = tpu.memref_slice %arg4[%add3A, %add3A_517, %dma_start3A_539, %dma_start3A_540] : memref<32x100x64x128xf32, #tpu.memory_space<hbm>> -> memref<1x1x64x128xf32, #tpu.memory_space<hbm>>
      %dma_start3A_542 = tpu.memref_squeeze %dma_start3A_541 : memref<1x1x64x128xf32, #tpu.memory_space<hbm>> -> memref<64x128xf32, #tpu.memory_space<hbm>>
      %dma_start3A_543 = tpu.memref_slice %arg8[%dma_start3A_534] : memref<10x!tpu.dma_semaphore, #tpu.memory_space<semaphore_mem>> -> memref<1x!tpu.dma_semaphore, #tpu.memory_space<semaphore_mem>>
      %dma_start3A_544 = tpu.memref_squeeze %dma_start3A_543 : memref<1x!tpu.dma_semaphore, #tpu.memory_space<semaphore_mem>> -> memref<!tpu.dma_semaphore, #tpu.memory_space<semaphore_mem>>
      %dma_start3A_545 = arith.constant 0 : i32
      %dma_start3A_546 = arith.constant 0 : i32
      %dma_start3A_547 = tpu.memref_slice %arg4[%add3A, %add3A_517, %dma_start3A_545, %dma_start3A_546] : memref<32x100x64x128xf32, #tpu.memory_space<hbm>> -> memref<1x1x64x128xf32, #tpu.memory_space<hbm>>
      %dma_start3A_548 = tpu.memref_squeeze %dma_start3A_547 : memref<1x1x64x128xf32, #tpu.memory_space<hbm>> -> memref<64x128xf32, #tpu.memory_space<hbm>>
      %dma_start3A_549 = arith.constant 0 : i32
      %dma_start3A_550 = arith.constant 0 : i32
      %dma_start3A_551 = tpu.memref_slice %arg6[%dma_start3A_533, %dma_start3A_549, %dma_start3A_550] : memref<10x64x128xf32, #tpu.memory_space<vmem>> -> memref<1x64x128xf32, #tpu.memory_space<vmem>>
      %dma_start3A_552 = tpu.memref_squeeze %dma_start3A_551 : memref<1x64x128xf32, #tpu.memory_space<vmem>> -> memref<64x128xf32, #tpu.memory_space<vmem>>
      tpu.enqueue_dma source(%dma_start3A_552 : memref<64x128xf32, #tpu.memory_space<vmem>>) target(%dma_start3A_548 : memref<64x128xf32, #tpu.memory_space<hbm>>) target_semaphore(%dma_start3A_544 : memref<!tpu.dma_semaphore, #tpu.memory_space<semaphore_mem>>)
      %ge3A_553 = arith.constant 1 : i32
      %ge3A_554 = arith.cmpi sge, %add3A_517, %ge3A_553 : i32
      %add3A_555 = arith.constant 10 : i32
      %add3A_556 = arith.addi %add3A_517, %add3A_555 : i32
      %sub3A_557 = arith.constant 1 : i32
      %sub3A_558 = arith.subi %add3A_556, %sub3A_557 : i32
      %lt3A_559 = arith.constant 100 : i32
      %lt3A_560 = arith.cmpi slt, %sub3A_558, %lt3A_559 : i32
      %and3A_561 = arith.andi %ge3A_554, %lt3A_560 : i1
      %convert_element_type3A_562 = arith.extui %and3A_561 : i1 to i32
      %cond3A_563 = arith.constant 0 : i32
      %cond3A_564 = arith.cmpi ne, %convert_element_type3A_562, %cond3A_563 : i32
      scf.if %cond3A_564 {
        %dma_wait3A_872 = arith.constant 2 : i32
        %dma_wait3A_873 = arith.constant 0 : i32
        %dma_wait3A_874 = arith.constant 2 : i32
        %dma_wait3A_875 = arith.constant 0 : i32
        %dma_wait3A_876 = arith.constant 0 : i32
        %dma_wait3A_877 = tpu.memref_slice %arg6[%dma_wait3A_872, %dma_wait3A_875, %dma_wait3A_876] : memref<10x64x128xf32, #tpu.memory_space<vmem>> -> memref<1x64x128xf32, #tpu.memory_space<vmem>>
        %dma_wait3A_878 = tpu.memref_squeeze %dma_wait3A_877 : memref<1x64x128xf32, #tpu.memory_space<vmem>> -> memref<64x128xf32, #tpu.memory_space<vmem>>
        %dma_wait3A_879 = arith.constant 0 : i32
        %dma_wait3A_880 = arith.constant 0 : i32
        %dma_wait3A_881 = tpu.memref_slice %arg4[%add3A, %dma_wait3A_873, %dma_wait3A_879, %dma_wait3A_880] : memref<32x100x64x128xf32, #tpu.memory_space<hbm>> -> memref<1x1x64x128xf32, #tpu.memory_space<hbm>>
        %dma_wait3A_882 = tpu.memref_squeeze %dma_wait3A_881 : memref<1x1x64x128xf32, #tpu.memory_space<hbm>> -> memref<64x128xf32, #tpu.memory_space<hbm>>
        %dma_wait3A_883 = tpu.memref_slice %arg8[%dma_wait3A_874] : memref<10x!tpu.dma_semaphore, #tpu.memory_space<semaphore_mem>> -> memref<1x!tpu.dma_semaphore, #tpu.memory_space<semaphore_mem>>
        %dma_wait3A_884 = tpu.memref_squeeze %dma_wait3A_883 : memref<1x!tpu.dma_semaphore, #tpu.memory_space<semaphore_mem>> -> memref<!tpu.dma_semaphore, #tpu.memory_space<semaphore_mem>>
        %dma_wait3A_885 = arith.constant 0 : i32
        %dma_wait3A_886 = arith.constant 0 : i32
        %dma_wait3A_887 = tpu.memref_slice %arg4[%add3A, %dma_wait3A_873, %dma_wait3A_885, %dma_wait3A_886] : memref<32x100x64x128xf32, #tpu.memory_space<hbm>> -> memref<1x1x64x128xf32, #tpu.memory_space<hbm>>
        %dma_wait3A_888 = tpu.memref_squeeze %dma_wait3A_887 : memref<1x1x64x128xf32, #tpu.memory_space<hbm>> -> memref<64x128xf32, #tpu.memory_space<hbm>>
        %dma_wait3A_889 = arith.constant 0 : i32
        %dma_wait3A_890 = arith.constant 0 : i32
        %dma_wait3A_891 = tpu.memref_slice %arg6[%dma_wait3A_872, %dma_wait3A_889, %dma_wait3A_890] : memref<10x64x128xf32, #tpu.memory_space<vmem>> -> memref<1x64x128xf32, #tpu.memory_space<vmem>>
        %dma_wait3A_892 = tpu.memref_squeeze %dma_wait3A_891 : memref<1x64x128xf32, #tpu.memory_space<vmem>> -> memref<64x128xf32, #tpu.memory_space<vmem>>
        tpu.wait_dma2 semaphore(%dma_wait3A_884 : memref<!tpu.dma_semaphore, #tpu.memory_space<semaphore_mem>>) src(%dma_wait3A_892 : memref<64x128xf32, #tpu.memory_space<vmem>>) dst(%dma_wait3A_888 : memref<64x128xf32, #tpu.memory_space<hbm>>)
        %add3A_893 = arith.constant 10 : i32
        %add3A_894 = arith.addi %add3A_517, %add3A_893 : i32
        %sub3A_895 = arith.constant 1 : i32
        %sub3A_896 = arith.subi %add3A_894, %sub3A_895 : i32
        %dma_start3A_897 = arith.constant 2 : i32
        %dma_start3A_898 = arith.constant 2 : i32
        %dma_start3A_899 = arith.constant 0 : i32
        %dma_start3A_900 = arith.constant 0 : i32
        %dma_start3A_901 = tpu.memref_slice %arg6[%dma_start3A_897, %dma_start3A_899, %dma_start3A_900] : memref<10x64x128xf32, #tpu.memory_space<vmem>> -> memref<1x64x128xf32, #tpu.memory_space<vmem>>
        %dma_start3A_902 = tpu.memref_squeeze %dma_start3A_901 : memref<1x64x128xf32, #tpu.memory_space<vmem>> -> memref<64x128xf32, #tpu.memory_space<vmem>>
        %dma_start3A_903 = arith.constant 0 : i32
        %dma_start3A_904 = tpu.memref_slice %arg5[%sub3A_896, %dma_start3A_903] : memref<100x64xi32, #tpu.memory_space<vmem>> -> memref<1x64xi32, #tpu.memory_space<vmem>>
        %dma_start3A_905 = tpu.memref_squeeze %dma_start3A_904 : memref<1x64xi32, #tpu.memory_space<vmem>> -> memref<64xi32, #tpu.memory_space<vmem>>
        %dma_start3A_906 = arith.constant 0 : i32
        %dma_start3A_907 = arith.constant 0 : i32
        %dma_start3A_908 = tpu.memref_slice %arg3[%dma_start3A_906, %dma_start3A_907] : memref<100000x128xf32, #tpu.memory_space<hbm>> -> memref<100000x128xf32, #tpu.memory_space<hbm>>
        %dma_start3A_909 = tpu.memref_slice %arg7[%dma_start3A_898] : memref<10x!tpu.dma_semaphore, #tpu.memory_space<semaphore_mem>> -> memref<1x!tpu.dma_semaphore, #tpu.memory_space<semaphore_mem>>
        %dma_start3A_910 = tpu.memref_squeeze %dma_start3A_909 : memref<1x!tpu.dma_semaphore, #tpu.memory_space<semaphore_mem>> -> memref<!tpu.dma_semaphore, #tpu.memory_space<semaphore_mem>>
        tpu.enqueue_indirect_dma source(%dma_start3A_908 : memref<100000x128xf32, #tpu.memory_space<hbm>>) target(%dma_start3A_902 : memref<64x128xf32, #tpu.memory_space<vmem>>) offsets(%dma_start3A_905 : memref<64xi32, #tpu.memory_space<vmem>>) semaphore(%dma_start3A_910 : memref<!tpu.dma_semaphore, #tpu.memory_space<semaphore_mem>>)
      } else {
      }
      %mul3A_565 = arith.constant 10 : i32
      %mul3A_566 = arith.muli %scan3A_365, %mul3A_565 : i32
      %add3A_567 = arith.constant 4 : i32
      %add3A_568 = arith.addi %mul3A_566, %add3A_567 : i32
      %dma_wait3A_569 = arith.constant 0 : i32
      %dma_wait3A_570 = arith.constant 4 : i32
      %dma_wait3A_571 = arith.constant 4 : i32
      %dma_wait3A_572 = arith.constant 0 : i32
      %dma_wait3A_573 = arith.constant 0 : i32
      %dma_wait3A_574 = tpu.memref_slice %arg6[%dma_wait3A_570, %dma_wait3A_572, %dma_wait3A_573] : memref<10x64x128xf32, #tpu.memory_space<vmem>> -> memref<1x64x128xf32, #tpu.memory_space<vmem>>
      %dma_wait3A_575 = tpu.memref_squeeze %dma_wait3A_574 : memref<1x64x128xf32, #tpu.memory_space<vmem>> -> memref<64x128xf32, #tpu.memory_space<vmem>>
      %dma_wait3A_576 = arith.constant 0 : i32
      %dma_wait3A_577 = tpu.memref_slice %arg5[%dma_wait3A_569, %dma_wait3A_576] : memref<100x64xi32, #tpu.memory_space<vmem>> -> memref<1x64xi32, #tpu.memory_space<vmem>>
      %dma_wait3A_578 = tpu.memref_squeeze %dma_wait3A_577 : memref<1x64xi32, #tpu.memory_space<vmem>> -> memref<64xi32, #tpu.memory_space<vmem>>
      %dma_wait3A_579 = arith.constant 0 : i32
      %dma_wait3A_580 = arith.constant 0 : i32
      %dma_wait3A_581 = tpu.memref_slice %arg3[%dma_wait3A_579, %dma_wait3A_580] : memref<100000x128xf32, #tpu.memory_space<hbm>> -> memref<100000x128xf32, #tpu.memory_space<hbm>>
      %dma_wait3A_582 = tpu.memref_slice %arg7[%dma_wait3A_571] : memref<10x!tpu.dma_semaphore, #tpu.memory_space<semaphore_mem>> -> memref<1x!tpu.dma_semaphore, #tpu.memory_space<semaphore_mem>>
      %dma_wait3A_583 = tpu.memref_squeeze %dma_wait3A_582 : memref<1x!tpu.dma_semaphore, #tpu.memory_space<semaphore_mem>> -> memref<!tpu.dma_semaphore, #tpu.memory_space<semaphore_mem>>
      tpu.wait_indirect_dma semaphore(%dma_wait3A_583 : memref<!tpu.dma_semaphore, #tpu.memory_space<semaphore_mem>>) src(%dma_wait3A_581 : memref<100000x128xf32, #tpu.memory_space<hbm>>) dst(%dma_wait3A_575 : memref<64x128xf32, #tpu.memory_space<vmem>>)
      %dma_start3A_584 = arith.constant 4 : i32
      %dma_start3A_585 = arith.constant 4 : i32
      %dma_start3A_586 = arith.constant 0 : i32
      %dma_start3A_587 = arith.constant 0 : i32
      %dma_start3A_588 = tpu.memref_slice %arg6[%dma_start3A_584, %dma_start3A_586, %dma_start3A_587] : memref<10x64x128xf32, #tpu.memory_space<vmem>> -> memref<1x64x128xf32, #tpu.memory_space<vmem>>
      %dma_start3A_589 = tpu.memref_squeeze %dma_start3A_588 : memref<1x64x128xf32, #tpu.memory_space<vmem>> -> memref<64x128xf32, #tpu.memory_space<vmem>>
      %dma_start3A_590 = arith.constant 0 : i32
      %dma_start3A_591 = arith.constant 0 : i32
      %dma_start3A_592 = tpu.memref_slice %arg4[%add3A, %add3A_568, %dma_start3A_590, %dma_start3A_591] : memref<32x100x64x128xf32, #tpu.memory_space<hbm>> -> memref<1x1x64x128xf32, #tpu.memory_space<hbm>>
      %dma_start3A_593 = tpu.memref_squeeze %dma_start3A_592 : memref<1x1x64x128xf32, #tpu.memory_space<hbm>> -> memref<64x128xf32, #tpu.memory_space<hbm>>
      %dma_start3A_594 = tpu.memref_slice %arg8[%dma_start3A_585] : memref<10x!tpu.dma_semaphore, #tpu.memory_space<semaphore_mem>> -> memref<1x!tpu.dma_semaphore, #tpu.memory_space<semaphore_mem>>
      %dma_start3A_595 = tpu.memref_squeeze %dma_start3A_594 : memref<1x!tpu.dma_semaphore, #tpu.memory_space<semaphore_mem>> -> memref<!tpu.dma_semaphore, #tpu.memory_space<semaphore_mem>>
      %dma_start3A_596 = arith.constant 0 : i32
      %dma_start3A_597 = arith.constant 0 : i32
      %dma_start3A_598 = tpu.memref_slice %arg4[%add3A, %add3A_568, %dma_start3A_596, %dma_start3A_597] : memref<32x100x64x128xf32, #tpu.memory_space<hbm>> -> memref<1x1x64x128xf32, #tpu.memory_space<hbm>>
      %dma_start3A_599 = tpu.memref_squeeze %dma_start3A_598 : memref<1x1x64x128xf32, #tpu.memory_space<hbm>> -> memref<64x128xf32, #tpu.memory_space<hbm>>
      %dma_start3A_600 = arith.constant 0 : i32
      %dma_start3A_601 = arith.constant 0 : i32
      %dma_start3A_602 = tpu.memref_slice %arg6[%dma_start3A_584, %dma_start3A_600, %dma_start3A_601] : memref<10x64x128xf32, #tpu.memory_space<vmem>> -> memref<1x64x128xf32, #tpu.memory_space<vmem>>
      %dma_start3A_603 = tpu.memref_squeeze %dma_start3A_602 : memref<1x64x128xf32, #tpu.memory_space<vmem>> -> memref<64x128xf32, #tpu.memory_space<vmem>>
      tpu.enqueue_dma source(%dma_start3A_603 : memref<64x128xf32, #tpu.memory_space<vmem>>) target(%dma_start3A_599 : memref<64x128xf32, #tpu.memory_space<hbm>>) target_semaphore(%dma_start3A_595 : memref<!tpu.dma_semaphore, #tpu.memory_space<semaphore_mem>>)
      %ge3A_604 = arith.constant 1 : i32
      %ge3A_605 = arith.cmpi sge, %add3A_568, %ge3A_604 : i32
      %add3A_606 = arith.constant 10 : i32
      %add3A_607 = arith.addi %add3A_568, %add3A_606 : i32
      %sub3A_608 = arith.constant 1 : i32
      %sub3A_609 = arith.subi %add3A_607, %sub3A_608 : i32
      %lt3A_610 = arith.constant 100 : i32
      %lt3A_611 = arith.cmpi slt, %sub3A_609, %lt3A_610 : i32
      %and3A_612 = arith.andi %ge3A_605, %lt3A_611 : i1
      %convert_element_type3A_613 = arith.extui %and3A_612 : i1 to i32
      %cond3A_614 = arith.constant 0 : i32
      %cond3A_615 = arith.cmpi ne, %convert_element_type3A_613, %cond3A_614 : i32
      scf.if %cond3A_615 {
        %dma_wait3A_872 = arith.constant 3 : i32
        %dma_wait3A_873 = arith.constant 0 : i32
        %dma_wait3A_874 = arith.constant 3 : i32
        %dma_wait3A_875 = arith.constant 0 : i32
        %dma_wait3A_876 = arith.constant 0 : i32
        %dma_wait3A_877 = tpu.memref_slice %arg6[%dma_wait3A_872, %dma_wait3A_875, %dma_wait3A_876] : memref<10x64x128xf32, #tpu.memory_space<vmem>> -> memref<1x64x128xf32, #tpu.memory_space<vmem>>
        %dma_wait3A_878 = tpu.memref_squeeze %dma_wait3A_877 : memref<1x64x128xf32, #tpu.memory_space<vmem>> -> memref<64x128xf32, #tpu.memory_space<vmem>>
        %dma_wait3A_879 = arith.constant 0 : i32
        %dma_wait3A_880 = arith.constant 0 : i32
        %dma_wait3A_881 = tpu.memref_slice %arg4[%add3A, %dma_wait3A_873, %dma_wait3A_879, %dma_wait3A_880] : memref<32x100x64x128xf32, #tpu.memory_space<hbm>> -> memref<1x1x64x128xf32, #tpu.memory_space<hbm>>
        %dma_wait3A_882 = tpu.memref_squeeze %dma_wait3A_881 : memref<1x1x64x128xf32, #tpu.memory_space<hbm>> -> memref<64x128xf32, #tpu.memory_space<hbm>>
        %dma_wait3A_883 = tpu.memref_slice %arg8[%dma_wait3A_874] : memref<10x!tpu.dma_semaphore, #tpu.memory_space<semaphore_mem>> -> memref<1x!tpu.dma_semaphore, #tpu.memory_space<semaphore_mem>>
        %dma_wait3A_884 = tpu.memref_squeeze %dma_wait3A_883 : memref<1x!tpu.dma_semaphore, #tpu.memory_space<semaphore_mem>> -> memref<!tpu.dma_semaphore, #tpu.memory_space<semaphore_mem>>
        %dma_wait3A_885 = arith.constant 0 : i32
        %dma_wait3A_886 = arith.constant 0 : i32
        %dma_wait3A_887 = tpu.memref_slice %arg4[%add3A, %dma_wait3A_873, %dma_wait3A_885, %dma_wait3A_886] : memref<32x100x64x128xf32, #tpu.memory_space<hbm>> -> memref<1x1x64x128xf32, #tpu.memory_space<hbm>>
        %dma_wait3A_888 = tpu.memref_squeeze %dma_wait3A_887 : memref<1x1x64x128xf32, #tpu.memory_space<hbm>> -> memref<64x128xf32, #tpu.memory_space<hbm>>
        %dma_wait3A_889 = arith.constant 0 : i32
        %dma_wait3A_890 = arith.constant 0 : i32
        %dma_wait3A_891 = tpu.memref_slice %arg6[%dma_wait3A_872, %dma_wait3A_889, %dma_wait3A_890] : memref<10x64x128xf32, #tpu.memory_space<vmem>> -> memref<1x64x128xf32, #tpu.memory_space<vmem>>
        %dma_wait3A_892 = tpu.memref_squeeze %dma_wait3A_891 : memref<1x64x128xf32, #tpu.memory_space<vmem>> -> memref<64x128xf32, #tpu.memory_space<vmem>>
        tpu.wait_dma2 semaphore(%dma_wait3A_884 : memref<!tpu.dma_semaphore, #tpu.memory_space<semaphore_mem>>) src(%dma_wait3A_892 : memref<64x128xf32, #tpu.memory_space<vmem>>) dst(%dma_wait3A_888 : memref<64x128xf32, #tpu.memory_space<hbm>>)
        %add3A_893 = arith.constant 10 : i32
        %add3A_894 = arith.addi %add3A_568, %add3A_893 : i32
        %sub3A_895 = arith.constant 1 : i32
        %sub3A_896 = arith.subi %add3A_894, %sub3A_895 : i32
        %dma_start3A_897 = arith.constant 3 : i32
        %dma_start3A_898 = arith.constant 3 : i32
        %dma_start3A_899 = arith.constant 0 : i32
        %dma_start3A_900 = arith.constant 0 : i32
        %dma_start3A_901 = tpu.memref_slice %arg6[%dma_start3A_897, %dma_start3A_899, %dma_start3A_900] : memref<10x64x128xf32, #tpu.memory_space<vmem>> -> memref<1x64x128xf32, #tpu.memory_space<vmem>>
        %dma_start3A_902 = tpu.memref_squeeze %dma_start3A_901 : memref<1x64x128xf32, #tpu.memory_space<vmem>> -> memref<64x128xf32, #tpu.memory_space<vmem>>
        %dma_start3A_903 = arith.constant 0 : i32
        %dma_start3A_904 = tpu.memref_slice %arg5[%sub3A_896, %dma_start3A_903] : memref<100x64xi32, #tpu.memory_space<vmem>> -> memref<1x64xi32, #tpu.memory_space<vmem>>
        %dma_start3A_905 = tpu.memref_squeeze %dma_start3A_904 : memref<1x64xi32, #tpu.memory_space<vmem>> -> memref<64xi32, #tpu.memory_space<vmem>>
        %dma_start3A_906 = arith.constant 0 : i32
        %dma_start3A_907 = arith.constant 0 : i32
        %dma_start3A_908 = tpu.memref_slice %arg3[%dma_start3A_906, %dma_start3A_907] : memref<100000x128xf32, #tpu.memory_space<hbm>> -> memref<100000x128xf32, #tpu.memory_space<hbm>>
        %dma_start3A_909 = tpu.memref_slice %arg7[%dma_start3A_898] : memref<10x!tpu.dma_semaphore, #tpu.memory_space<semaphore_mem>> -> memref<1x!tpu.dma_semaphore, #tpu.memory_space<semaphore_mem>>
        %dma_start3A_910 = tpu.memref_squeeze %dma_start3A_909 : memref<1x!tpu.dma_semaphore, #tpu.memory_space<semaphore_mem>> -> memref<!tpu.dma_semaphore, #tpu.memory_space<semaphore_mem>>
        tpu.enqueue_indirect_dma source(%dma_start3A_908 : memref<100000x128xf32, #tpu.memory_space<hbm>>) target(%dma_start3A_902 : memref<64x128xf32, #tpu.memory_space<vmem>>) offsets(%dma_start3A_905 : memref<64xi32, #tpu.memory_space<vmem>>) semaphore(%dma_start3A_910 : memref<!tpu.dma_semaphore, #tpu.memory_space<semaphore_mem>>)
      } else {
      }
      %mul3A_616 = arith.constant 10 : i32
      %mul3A_617 = arith.muli %scan3A_365, %mul3A_616 : i32
      %add3A_618 = arith.constant 5 : i32
      %add3A_619 = arith.addi %mul3A_617, %add3A_618 : i32
      %dma_wait3A_620 = arith.constant 0 : i32
      %dma_wait3A_621 = arith.constant 5 : i32
      %dma_wait3A_622 = arith.constant 5 : i32
      %dma_wait3A_623 = arith.constant 0 : i32
      %dma_wait3A_624 = arith.constant 0 : i32
      %dma_wait3A_625 = tpu.memref_slice %arg6[%dma_wait3A_621, %dma_wait3A_623, %dma_wait3A_624] : memref<10x64x128xf32, #tpu.memory_space<vmem>> -> memref<1x64x128xf32, #tpu.memory_space<vmem>>
      %dma_wait3A_626 = tpu.memref_squeeze %dma_wait3A_625 : memref<1x64x128xf32, #tpu.memory_space<vmem>> -> memref<64x128xf32, #tpu.memory_space<vmem>>
      %dma_wait3A_627 = arith.constant 0 : i32
      %dma_wait3A_628 = tpu.memref_slice %arg5[%dma_wait3A_620, %dma_wait3A_627] : memref<100x64xi32, #tpu.memory_space<vmem>> -> memref<1x64xi32, #tpu.memory_space<vmem>>
      %dma_wait3A_629 = tpu.memref_squeeze %dma_wait3A_628 : memref<1x64xi32, #tpu.memory_space<vmem>> -> memref<64xi32, #tpu.memory_space<vmem>>
      %dma_wait3A_630 = arith.constant 0 : i32
      %dma_wait3A_631 = arith.constant 0 : i32
      %dma_wait3A_632 = tpu.memref_slice %arg3[%dma_wait3A_630, %dma_wait3A_631] : memref<100000x128xf32, #tpu.memory_space<hbm>> -> memref<100000x128xf32, #tpu.memory_space<hbm>>
      %dma_wait3A_633 = tpu.memref_slice %arg7[%dma_wait3A_622] : memref<10x!tpu.dma_semaphore, #tpu.memory_space<semaphore_mem>> -> memref<1x!tpu.dma_semaphore, #tpu.memory_space<semaphore_mem>>
      %dma_wait3A_634 = tpu.memref_squeeze %dma_wait3A_633 : memref<1x!tpu.dma_semaphore, #tpu.memory_space<semaphore_mem>> -> memref<!tpu.dma_semaphore, #tpu.memory_space<semaphore_mem>>
      tpu.wait_indirect_dma semaphore(%dma_wait3A_634 : memref<!tpu.dma_semaphore, #tpu.memory_space<semaphore_mem>>) src(%dma_wait3A_632 : memref<100000x128xf32, #tpu.memory_space<hbm>>) dst(%dma_wait3A_626 : memref<64x128xf32, #tpu.memory_space<vmem>>)
      %dma_start3A_635 = arith.constant 5 : i32
      %dma_start3A_636 = arith.constant 5 : i32
      %dma_start3A_637 = arith.constant 0 : i32
      %dma_start3A_638 = arith.constant 0 : i32
      %dma_start3A_639 = tpu.memref_slice %arg6[%dma_start3A_635, %dma_start3A_637, %dma_start3A_638] : memref<10x64x128xf32, #tpu.memory_space<vmem>> -> memref<1x64x128xf32, #tpu.memory_space<vmem>>
      %dma_start3A_640 = tpu.memref_squeeze %dma_start3A_639 : memref<1x64x128xf32, #tpu.memory_space<vmem>> -> memref<64x128xf32, #tpu.memory_space<vmem>>
      %dma_start3A_641 = arith.constant 0 : i32
      %dma_start3A_642 = arith.constant 0 : i32
      %dma_start3A_643 = tpu.memref_slice %arg4[%add3A, %add3A_619, %dma_start3A_641, %dma_start3A_642] : memref<32x100x64x128xf32, #tpu.memory_space<hbm>> -> memref<1x1x64x128xf32, #tpu.memory_space<hbm>>
      %dma_start3A_644 = tpu.memref_squeeze %dma_start3A_643 : memref<1x1x64x128xf32, #tpu.memory_space<hbm>> -> memref<64x128xf32, #tpu.memory_space<hbm>>
      %dma_start3A_645 = tpu.memref_slice %arg8[%dma_start3A_636] : memref<10x!tpu.dma_semaphore, #tpu.memory_space<semaphore_mem>> -> memref<1x!tpu.dma_semaphore, #tpu.memory_space<semaphore_mem>>
      %dma_start3A_646 = tpu.memref_squeeze %dma_start3A_645 : memref<1x!tpu.dma_semaphore, #tpu.memory_space<semaphore_mem>> -> memref<!tpu.dma_semaphore, #tpu.memory_space<semaphore_mem>>
      %dma_start3A_647 = arith.constant 0 : i32
      %dma_start3A_648 = arith.constant 0 : i32
      %dma_start3A_649 = tpu.memref_slice %arg4[%add3A, %add3A_619, %dma_start3A_647, %dma_start3A_648] : memref<32x100x64x128xf32, #tpu.memory_space<hbm>> -> memref<1x1x64x128xf32, #tpu.memory_space<hbm>>
      %dma_start3A_650 = tpu.memref_squeeze %dma_start3A_649 : memref<1x1x64x128xf32, #tpu.memory_space<hbm>> -> memref<64x128xf32, #tpu.memory_space<hbm>>
      %dma_start3A_651 = arith.constant 0 : i32
      %dma_start3A_652 = arith.constant 0 : i32
      %dma_start3A_653 = tpu.memref_slice %arg6[%dma_start3A_635, %dma_start3A_651, %dma_start3A_652] : memref<10x64x128xf32, #tpu.memory_space<vmem>> -> memref<1x64x128xf32, #tpu.memory_space<vmem>>
      %dma_start3A_654 = tpu.memref_squeeze %dma_start3A_653 : memref<1x64x128xf32, #tpu.memory_space<vmem>> -> memref<64x128xf32, #tpu.memory_space<vmem>>
      tpu.enqueue_dma source(%dma_start3A_654 : memref<64x128xf32, #tpu.memory_space<vmem>>) target(%dma_start3A_650 : memref<64x128xf32, #tpu.memory_space<hbm>>) target_semaphore(%dma_start3A_646 : memref<!tpu.dma_semaphore, #tpu.memory_space<semaphore_mem>>)
      %ge3A_655 = arith.constant 1 : i32
      %ge3A_656 = arith.cmpi sge, %add3A_619, %ge3A_655 : i32
      %add3A_657 = arith.constant 10 : i32
      %add3A_658 = arith.addi %add3A_619, %add3A_657 : i32
      %sub3A_659 = arith.constant 1 : i32
      %sub3A_660 = arith.subi %add3A_658, %sub3A_659 : i32
      %lt3A_661 = arith.constant 100 : i32
      %lt3A_662 = arith.cmpi slt, %sub3A_660, %lt3A_661 : i32
      %and3A_663 = arith.andi %ge3A_656, %lt3A_662 : i1
      %convert_element_type3A_664 = arith.extui %and3A_663 : i1 to i32
      %cond3A_665 = arith.constant 0 : i32
      %cond3A_666 = arith.cmpi ne, %convert_element_type3A_664, %cond3A_665 : i32
      scf.if %cond3A_666 {
        %dma_wait3A_872 = arith.constant 4 : i32
        %dma_wait3A_873 = arith.constant 0 : i32
        %dma_wait3A_874 = arith.constant 4 : i32
        %dma_wait3A_875 = arith.constant 0 : i32
        %dma_wait3A_876 = arith.constant 0 : i32
        %dma_wait3A_877 = tpu.memref_slice %arg6[%dma_wait3A_872, %dma_wait3A_875, %dma_wait3A_876] : memref<10x64x128xf32, #tpu.memory_space<vmem>> -> memref<1x64x128xf32, #tpu.memory_space<vmem>>
        %dma_wait3A_878 = tpu.memref_squeeze %dma_wait3A_877 : memref<1x64x128xf32, #tpu.memory_space<vmem>> -> memref<64x128xf32, #tpu.memory_space<vmem>>
        %dma_wait3A_879 = arith.constant 0 : i32
        %dma_wait3A_880 = arith.constant 0 : i32
        %dma_wait3A_881 = tpu.memref_slice %arg4[%add3A, %dma_wait3A_873, %dma_wait3A_879, %dma_wait3A_880] : memref<32x100x64x128xf32, #tpu.memory_space<hbm>> -> memref<1x1x64x128xf32, #tpu.memory_space<hbm>>
        %dma_wait3A_882 = tpu.memref_squeeze %dma_wait3A_881 : memref<1x1x64x128xf32, #tpu.memory_space<hbm>> -> memref<64x128xf32, #tpu.memory_space<hbm>>
        %dma_wait3A_883 = tpu.memref_slice %arg8[%dma_wait3A_874] : memref<10x!tpu.dma_semaphore, #tpu.memory_space<semaphore_mem>> -> memref<1x!tpu.dma_semaphore, #tpu.memory_space<semaphore_mem>>
        %dma_wait3A_884 = tpu.memref_squeeze %dma_wait3A_883 : memref<1x!tpu.dma_semaphore, #tpu.memory_space<semaphore_mem>> -> memref<!tpu.dma_semaphore, #tpu.memory_space<semaphore_mem>>
        %dma_wait3A_885 = arith.constant 0 : i32
        %dma_wait3A_886 = arith.constant 0 : i32
        %dma_wait3A_887 = tpu.memref_slice %arg4[%add3A, %dma_wait3A_873, %dma_wait3A_885, %dma_wait3A_886] : memref<32x100x64x128xf32, #tpu.memory_space<hbm>> -> memref<1x1x64x128xf32, #tpu.memory_space<hbm>>
        %dma_wait3A_888 = tpu.memref_squeeze %dma_wait3A_887 : memref<1x1x64x128xf32, #tpu.memory_space<hbm>> -> memref<64x128xf32, #tpu.memory_space<hbm>>
        %dma_wait3A_889 = arith.constant 0 : i32
        %dma_wait3A_890 = arith.constant 0 : i32
        %dma_wait3A_891 = tpu.memref_slice %arg6[%dma_wait3A_872, %dma_wait3A_889, %dma_wait3A_890] : memref<10x64x128xf32, #tpu.memory_space<vmem>> -> memref<1x64x128xf32, #tpu.memory_space<vmem>>
        %dma_wait3A_892 = tpu.memref_squeeze %dma_wait3A_891 : memref<1x64x128xf32, #tpu.memory_space<vmem>> -> memref<64x128xf32, #tpu.memory_space<vmem>>
        tpu.wait_dma2 semaphore(%dma_wait3A_884 : memref<!tpu.dma_semaphore, #tpu.memory_space<semaphore_mem>>) src(%dma_wait3A_892 : memref<64x128xf32, #tpu.memory_space<vmem>>) dst(%dma_wait3A_888 : memref<64x128xf32, #tpu.memory_space<hbm>>)
        %add3A_893 = arith.constant 10 : i32
        %add3A_894 = arith.addi %add3A_619, %add3A_893 : i32
        %sub3A_895 = arith.constant 1 : i32
        %sub3A_896 = arith.subi %add3A_894, %sub3A_895 : i32
        %dma_start3A_897 = arith.constant 4 : i32
        %dma_start3A_898 = arith.constant 4 : i32
        %dma_start3A_899 = arith.constant 0 : i32
        %dma_start3A_900 = arith.constant 0 : i32
        %dma_start3A_901 = tpu.memref_slice %arg6[%dma_start3A_897, %dma_start3A_899, %dma_start3A_900] : memref<10x64x128xf32, #tpu.memory_space<vmem>> -> memref<1x64x128xf32, #tpu.memory_space<vmem>>
        %dma_start3A_902 = tpu.memref_squeeze %dma_start3A_901 : memref<1x64x128xf32, #tpu.memory_space<vmem>> -> memref<64x128xf32, #tpu.memory_space<vmem>>
        %dma_start3A_903 = arith.constant 0 : i32
        %dma_start3A_904 = tpu.memref_slice %arg5[%sub3A_896, %dma_start3A_903] : memref<100x64xi32, #tpu.memory_space<vmem>> -> memref<1x64xi32, #tpu.memory_space<vmem>>
        %dma_start3A_905 = tpu.memref_squeeze %dma_start3A_904 : memref<1x64xi32, #tpu.memory_space<vmem>> -> memref<64xi32, #tpu.memory_space<vmem>>
        %dma_start3A_906 = arith.constant 0 : i32
        %dma_start3A_907 = arith.constant 0 : i32
        %dma_start3A_908 = tpu.memref_slice %arg3[%dma_start3A_906, %dma_start3A_907] : memref<100000x128xf32, #tpu.memory_space<hbm>> -> memref<100000x128xf32, #tpu.memory_space<hbm>>
        %dma_start3A_909 = tpu.memref_slice %arg7[%dma_start3A_898] : memref<10x!tpu.dma_semaphore, #tpu.memory_space<semaphore_mem>> -> memref<1x!tpu.dma_semaphore, #tpu.memory_space<semaphore_mem>>
        %dma_start3A_910 = tpu.memref_squeeze %dma_start3A_909 : memref<1x!tpu.dma_semaphore, #tpu.memory_space<semaphore_mem>> -> memref<!tpu.dma_semaphore, #tpu.memory_space<semaphore_mem>>
        tpu.enqueue_indirect_dma source(%dma_start3A_908 : memref<100000x128xf32, #tpu.memory_space<hbm>>) target(%dma_start3A_902 : memref<64x128xf32, #tpu.memory_space<vmem>>) offsets(%dma_start3A_905 : memref<64xi32, #tpu.memory_space<vmem>>) semaphore(%dma_start3A_910 : memref<!tpu.dma_semaphore, #tpu.memory_space<semaphore_mem>>)
      } else {
      }
      %mul3A_667 = arith.constant 10 : i32
      %mul3A_668 = arith.muli %scan3A_365, %mul3A_667 : i32
      %add3A_669 = arith.constant 6 : i32
      %add3A_670 = arith.addi %mul3A_668, %add3A_669 : i32
      %dma_wait3A_671 = arith.constant 0 : i32
      %dma_wait3A_672 = arith.constant 6 : i32
      %dma_wait3A_673 = arith.constant 6 : i32
      %dma_wait3A_674 = arith.constant 0 : i32
      %dma_wait3A_675 = arith.constant 0 : i32
      %dma_wait3A_676 = tpu.memref_slice %arg6[%dma_wait3A_672, %dma_wait3A_674, %dma_wait3A_675] : memref<10x64x128xf32, #tpu.memory_space<vmem>> -> memref<1x64x128xf32, #tpu.memory_space<vmem>>
      %dma_wait3A_677 = tpu.memref_squeeze %dma_wait3A_676 : memref<1x64x128xf32, #tpu.memory_space<vmem>> -> memref<64x128xf32, #tpu.memory_space<vmem>>
      %dma_wait3A_678 = arith.constant 0 : i32
      %dma_wait3A_679 = tpu.memref_slice %arg5[%dma_wait3A_671, %dma_wait3A_678] : memref<100x64xi32, #tpu.memory_space<vmem>> -> memref<1x64xi32, #tpu.memory_space<vmem>>
      %dma_wait3A_680 = tpu.memref_squeeze %dma_wait3A_679 : memref<1x64xi32, #tpu.memory_space<vmem>> -> memref<64xi32, #tpu.memory_space<vmem>>
      %dma_wait3A_681 = arith.constant 0 : i32
      %dma_wait3A_682 = arith.constant 0 : i32
      %dma_wait3A_683 = tpu.memref_slice %arg3[%dma_wait3A_681, %dma_wait3A_682] : memref<100000x128xf32, #tpu.memory_space<hbm>> -> memref<100000x128xf32, #tpu.memory_space<hbm>>
      %dma_wait3A_684 = tpu.memref_slice %arg7[%dma_wait3A_673] : memref<10x!tpu.dma_semaphore, #tpu.memory_space<semaphore_mem>> -> memref<1x!tpu.dma_semaphore, #tpu.memory_space<semaphore_mem>>
      %dma_wait3A_685 = tpu.memref_squeeze %dma_wait3A_684 : memref<1x!tpu.dma_semaphore, #tpu.memory_space<semaphore_mem>> -> memref<!tpu.dma_semaphore, #tpu.memory_space<semaphore_mem>>
      tpu.wait_indirect_dma semaphore(%dma_wait3A_685 : memref<!tpu.dma_semaphore, #tpu.memory_space<semaphore_mem>>) src(%dma_wait3A_683 : memref<100000x128xf32, #tpu.memory_space<hbm>>) dst(%dma_wait3A_677 : memref<64x128xf32, #tpu.memory_space<vmem>>)
      %dma_start3A_686 = arith.constant 6 : i32
      %dma_start3A_687 = arith.constant 6 : i32
      %dma_start3A_688 = arith.constant 0 : i32
      %dma_start3A_689 = arith.constant 0 : i32
      %dma_start3A_690 = tpu.memref_slice %arg6[%dma_start3A_686, %dma_start3A_688, %dma_start3A_689] : memref<10x64x128xf32, #tpu.memory_space<vmem>> -> memref<1x64x128xf32, #tpu.memory_space<vmem>>
      %dma_start3A_691 = tpu.memref_squeeze %dma_start3A_690 : memref<1x64x128xf32, #tpu.memory_space<vmem>> -> memref<64x128xf32, #tpu.memory_space<vmem>>
      %dma_start3A_692 = arith.constant 0 : i32
      %dma_start3A_693 = arith.constant 0 : i32
      %dma_start3A_694 = tpu.memref_slice %arg4[%add3A, %add3A_670, %dma_start3A_692, %dma_start3A_693] : memref<32x100x64x128xf32, #tpu.memory_space<hbm>> -> memref<1x1x64x128xf32, #tpu.memory_space<hbm>>
      %dma_start3A_695 = tpu.memref_squeeze %dma_start3A_694 : memref<1x1x64x128xf32, #tpu.memory_space<hbm>> -> memref<64x128xf32, #tpu.memory_space<hbm>>
      %dma_start3A_696 = tpu.memref_slice %arg8[%dma_start3A_687] : memref<10x!tpu.dma_semaphore, #tpu.memory_space<semaphore_mem>> -> memref<1x!tpu.dma_semaphore, #tpu.memory_space<semaphore_mem>>
      %dma_start3A_697 = tpu.memref_squeeze %dma_start3A_696 : memref<1x!tpu.dma_semaphore, #tpu.memory_space<semaphore_mem>> -> memref<!tpu.dma_semaphore, #tpu.memory_space<semaphore_mem>>
      %dma_start3A_698 = arith.constant 0 : i32
      %dma_start3A_699 = arith.constant 0 : i32
      %dma_start3A_700 = tpu.memref_slice %arg4[%add3A, %add3A_670, %dma_start3A_698, %dma_start3A_699] : memref<32x100x64x128xf32, #tpu.memory_space<hbm>> -> memref<1x1x64x128xf32, #tpu.memory_space<hbm>>
      %dma_start3A_701 = tpu.memref_squeeze %dma_start3A_700 : memref<1x1x64x128xf32, #tpu.memory_space<hbm>> -> memref<64x128xf32, #tpu.memory_space<hbm>>
      %dma_start3A_702 = arith.constant 0 : i32
      %dma_start3A_703 = arith.constant 0 : i32
      %dma_start3A_704 = tpu.memref_slice %arg6[%dma_start3A_686, %dma_start3A_702, %dma_start3A_703] : memref<10x64x128xf32, #tpu.memory_space<vmem>> -> memref<1x64x128xf32, #tpu.memory_space<vmem>>
      %dma_start3A_705 = tpu.memref_squeeze %dma_start3A_704 : memref<1x64x128xf32, #tpu.memory_space<vmem>> -> memref<64x128xf32, #tpu.memory_space<vmem>>
      tpu.enqueue_dma source(%dma_start3A_705 : memref<64x128xf32, #tpu.memory_space<vmem>>) target(%dma_start3A_701 : memref<64x128xf32, #tpu.memory_space<hbm>>) target_semaphore(%dma_start3A_697 : memref<!tpu.dma_semaphore, #tpu.memory_space<semaphore_mem>>)
      %ge3A_706 = arith.constant 1 : i32
      %ge3A_707 = arith.cmpi sge, %add3A_670, %ge3A_706 : i32
      %add3A_708 = arith.constant 10 : i32
      %add3A_709 = arith.addi %add3A_670, %add3A_708 : i32
      %sub3A_710 = arith.constant 1 : i32
      %sub3A_711 = arith.subi %add3A_709, %sub3A_710 : i32
      %lt3A_712 = arith.constant 100 : i32
      %lt3A_713 = arith.cmpi slt, %sub3A_711, %lt3A_712 : i32
      %and3A_714 = arith.andi %ge3A_707, %lt3A_713 : i1
      %convert_element_type3A_715 = arith.extui %and3A_714 : i1 to i32
      %cond3A_716 = arith.constant 0 : i32
      %cond3A_717 = arith.cmpi ne, %convert_element_type3A_715, %cond3A_716 : i32
      scf.if %cond3A_717 {
        %dma_wait3A_872 = arith.constant 5 : i32
        %dma_wait3A_873 = arith.constant 0 : i32
        %dma_wait3A_874 = arith.constant 5 : i32
        %dma_wait3A_875 = arith.constant 0 : i32
        %dma_wait3A_876 = arith.constant 0 : i32
        %dma_wait3A_877 = tpu.memref_slice %arg6[%dma_wait3A_872, %dma_wait3A_875, %dma_wait3A_876] : memref<10x64x128xf32, #tpu.memory_space<vmem>> -> memref<1x64x128xf32, #tpu.memory_space<vmem>>
        %dma_wait3A_878 = tpu.memref_squeeze %dma_wait3A_877 : memref<1x64x128xf32, #tpu.memory_space<vmem>> -> memref<64x128xf32, #tpu.memory_space<vmem>>
        %dma_wait3A_879 = arith.constant 0 : i32
        %dma_wait3A_880 = arith.constant 0 : i32
        %dma_wait3A_881 = tpu.memref_slice %arg4[%add3A, %dma_wait3A_873, %dma_wait3A_879, %dma_wait3A_880] : memref<32x100x64x128xf32, #tpu.memory_space<hbm>> -> memref<1x1x64x128xf32, #tpu.memory_space<hbm>>
        %dma_wait3A_882 = tpu.memref_squeeze %dma_wait3A_881 : memref<1x1x64x128xf32, #tpu.memory_space<hbm>> -> memref<64x128xf32, #tpu.memory_space<hbm>>
        %dma_wait3A_883 = tpu.memref_slice %arg8[%dma_wait3A_874] : memref<10x!tpu.dma_semaphore, #tpu.memory_space<semaphore_mem>> -> memref<1x!tpu.dma_semaphore, #tpu.memory_space<semaphore_mem>>
        %dma_wait3A_884 = tpu.memref_squeeze %dma_wait3A_883 : memref<1x!tpu.dma_semaphore, #tpu.memory_space<semaphore_mem>> -> memref<!tpu.dma_semaphore, #tpu.memory_space<semaphore_mem>>
        %dma_wait3A_885 = arith.constant 0 : i32
        %dma_wait3A_886 = arith.constant 0 : i32
        %dma_wait3A_887 = tpu.memref_slice %arg4[%add3A, %dma_wait3A_873, %dma_wait3A_885, %dma_wait3A_886] : memref<32x100x64x128xf32, #tpu.memory_space<hbm>> -> memref<1x1x64x128xf32, #tpu.memory_space<hbm>>
        %dma_wait3A_888 = tpu.memref_squeeze %dma_wait3A_887 : memref<1x1x64x128xf32, #tpu.memory_space<hbm>> -> memref<64x128xf32, #tpu.memory_space<hbm>>
        %dma_wait3A_889 = arith.constant 0 : i32
        %dma_wait3A_890 = arith.constant 0 : i32
        %dma_wait3A_891 = tpu.memref_slice %arg6[%dma_wait3A_872, %dma_wait3A_889, %dma_wait3A_890] : memref<10x64x128xf32, #tpu.memory_space<vmem>> -> memref<1x64x128xf32, #tpu.memory_space<vmem>>
        %dma_wait3A_892 = tpu.memref_squeeze %dma_wait3A_891 : memref<1x64x128xf32, #tpu.memory_space<vmem>> -> memref<64x128xf32, #tpu.memory_space<vmem>>
        tpu.wait_dma2 semaphore(%dma_wait3A_884 : memref<!tpu.dma_semaphore, #tpu.memory_space<semaphore_mem>>) src(%dma_wait3A_892 : memref<64x128xf32, #tpu.memory_space<vmem>>) dst(%dma_wait3A_888 : memref<64x128xf32, #tpu.memory_space<hbm>>)
        %add3A_893 = arith.constant 10 : i32
        %add3A_894 = arith.addi %add3A_670, %add3A_893 : i32
        %sub3A_895 = arith.constant 1 : i32
        %sub3A_896 = arith.subi %add3A_894, %sub3A_895 : i32
        %dma_start3A_897 = arith.constant 5 : i32
        %dma_start3A_898 = arith.constant 5 : i32
        %dma_start3A_899 = arith.constant 0 : i32
        %dma_start3A_900 = arith.constant 0 : i32
        %dma_start3A_901 = tpu.memref_slice %arg6[%dma_start3A_897, %dma_start3A_899, %dma_start3A_900] : memref<10x64x128xf32, #tpu.memory_space<vmem>> -> memref<1x64x128xf32, #tpu.memory_space<vmem>>
        %dma_start3A_902 = tpu.memref_squeeze %dma_start3A_901 : memref<1x64x128xf32, #tpu.memory_space<vmem>> -> memref<64x128xf32, #tpu.memory_space<vmem>>
        %dma_start3A_903 = arith.constant 0 : i32
        %dma_start3A_904 = tpu.memref_slice %arg5[%sub3A_896, %dma_start3A_903] : memref<100x64xi32, #tpu.memory_space<vmem>> -> memref<1x64xi32, #tpu.memory_space<vmem>>
        %dma_start3A_905 = tpu.memref_squeeze %dma_start3A_904 : memref<1x64xi32, #tpu.memory_space<vmem>> -> memref<64xi32, #tpu.memory_space<vmem>>
        %dma_start3A_906 = arith.constant 0 : i32
        %dma_start3A_907 = arith.constant 0 : i32
        %dma_start3A_908 = tpu.memref_slice %arg3[%dma_start3A_906, %dma_start3A_907] : memref<100000x128xf32, #tpu.memory_space<hbm>> -> memref<100000x128xf32, #tpu.memory_space<hbm>>
        %dma_start3A_909 = tpu.memref_slice %arg7[%dma_start3A_898] : memref<10x!tpu.dma_semaphore, #tpu.memory_space<semaphore_mem>> -> memref<1x!tpu.dma_semaphore, #tpu.memory_space<semaphore_mem>>
        %dma_start3A_910 = tpu.memref_squeeze %dma_start3A_909 : memref<1x!tpu.dma_semaphore, #tpu.memory_space<semaphore_mem>> -> memref<!tpu.dma_semaphore, #tpu.memory_space<semaphore_mem>>
        tpu.enqueue_indirect_dma source(%dma_start3A_908 : memref<100000x128xf32, #tpu.memory_space<hbm>>) target(%dma_start3A_902 : memref<64x128xf32, #tpu.memory_space<vmem>>) offsets(%dma_start3A_905 : memref<64xi32, #tpu.memory_space<vmem>>) semaphore(%dma_start3A_910 : memref<!tpu.dma_semaphore, #tpu.memory_space<semaphore_mem>>)
      } else {
      }
      %mul3A_718 = arith.constant 10 : i32
      %mul3A_719 = arith.muli %scan3A_365, %mul3A_718 : i32
      %add3A_720 = arith.constant 7 : i32
      %add3A_721 = arith.addi %mul3A_719, %add3A_720 : i32
      %dma_wait3A_722 = arith.constant 0 : i32
      %dma_wait3A_723 = arith.constant 7 : i32
      %dma_wait3A_724 = arith.constant 7 : i32
      %dma_wait3A_725 = arith.constant 0 : i32
      %dma_wait3A_726 = arith.constant 0 : i32
      %dma_wait3A_727 = tpu.memref_slice %arg6[%dma_wait3A_723, %dma_wait3A_725, %dma_wait3A_726] : memref<10x64x128xf32, #tpu.memory_space<vmem>> -> memref<1x64x128xf32, #tpu.memory_space<vmem>>
      %dma_wait3A_728 = tpu.memref_squeeze %dma_wait3A_727 : memref<1x64x128xf32, #tpu.memory_space<vmem>> -> memref<64x128xf32, #tpu.memory_space<vmem>>
      %dma_wait3A_729 = arith.constant 0 : i32
      %dma_wait3A_730 = tpu.memref_slice %arg5[%dma_wait3A_722, %dma_wait3A_729] : memref<100x64xi32, #tpu.memory_space<vmem>> -> memref<1x64xi32, #tpu.memory_space<vmem>>
      %dma_wait3A_731 = tpu.memref_squeeze %dma_wait3A_730 : memref<1x64xi32, #tpu.memory_space<vmem>> -> memref<64xi32, #tpu.memory_space<vmem>>
      %dma_wait3A_732 = arith.constant 0 : i32
      %dma_wait3A_733 = arith.constant 0 : i32
      %dma_wait3A_734 = tpu.memref_slice %arg3[%dma_wait3A_732, %dma_wait3A_733] : memref<100000x128xf32, #tpu.memory_space<hbm>> -> memref<100000x128xf32, #tpu.memory_space<hbm>>
      %dma_wait3A_735 = tpu.memref_slice %arg7[%dma_wait3A_724] : memref<10x!tpu.dma_semaphore, #tpu.memory_space<semaphore_mem>> -> memref<1x!tpu.dma_semaphore, #tpu.memory_space<semaphore_mem>>
      %dma_wait3A_736 = tpu.memref_squeeze %dma_wait3A_735 : memref<1x!tpu.dma_semaphore, #tpu.memory_space<semaphore_mem>> -> memref<!tpu.dma_semaphore, #tpu.memory_space<semaphore_mem>>
      tpu.wait_indirect_dma semaphore(%dma_wait3A_736 : memref<!tpu.dma_semaphore, #tpu.memory_space<semaphore_mem>>) src(%dma_wait3A_734 : memref<100000x128xf32, #tpu.memory_space<hbm>>) dst(%dma_wait3A_728 : memref<64x128xf32, #tpu.memory_space<vmem>>)
      %dma_start3A_737 = arith.constant 7 : i32
      %dma_start3A_738 = arith.constant 7 : i32
      %dma_start3A_739 = arith.constant 0 : i32
      %dma_start3A_740 = arith.constant 0 : i32
      %dma_start3A_741 = tpu.memref_slice %arg6[%dma_start3A_737, %dma_start3A_739, %dma_start3A_740] : memref<10x64x128xf32, #tpu.memory_space<vmem>> -> memref<1x64x128xf32, #tpu.memory_space<vmem>>
      %dma_start3A_742 = tpu.memref_squeeze %dma_start3A_741 : memref<1x64x128xf32, #tpu.memory_space<vmem>> -> memref<64x128xf32, #tpu.memory_space<vmem>>
      %dma_start3A_743 = arith.constant 0 : i32
      %dma_start3A_744 = arith.constant 0 : i32
      %dma_start3A_745 = tpu.memref_slice %arg4[%add3A, %add3A_721, %dma_start3A_743, %dma_start3A_744] : memref<32x100x64x128xf32, #tpu.memory_space<hbm>> -> memref<1x1x64x128xf32, #tpu.memory_space<hbm>>
      %dma_start3A_746 = tpu.memref_squeeze %dma_start3A_745 : memref<1x1x64x128xf32, #tpu.memory_space<hbm>> -> memref<64x128xf32, #tpu.memory_space<hbm>>
      %dma_start3A_747 = tpu.memref_slice %arg8[%dma_start3A_738] : memref<10x!tpu.dma_semaphore, #tpu.memory_space<semaphore_mem>> -> memref<1x!tpu.dma_semaphore, #tpu.memory_space<semaphore_mem>>
      %dma_start3A_748 = tpu.memref_squeeze %dma_start3A_747 : memref<1x!tpu.dma_semaphore, #tpu.memory_space<semaphore_mem>> -> memref<!tpu.dma_semaphore, #tpu.memory_space<semaphore_mem>>
      %dma_start3A_749 = arith.constant 0 : i32
      %dma_start3A_750 = arith.constant 0 : i32
      %dma_start3A_751 = tpu.memref_slice %arg4[%add3A, %add3A_721, %dma_start3A_749, %dma_start3A_750] : memref<32x100x64x128xf32, #tpu.memory_space<hbm>> -> memref<1x1x64x128xf32, #tpu.memory_space<hbm>>
      %dma_start3A_752 = tpu.memref_squeeze %dma_start3A_751 : memref<1x1x64x128xf32, #tpu.memory_space<hbm>> -> memref<64x128xf32, #tpu.memory_space<hbm>>
      %dma_start3A_753 = arith.constant 0 : i32
      %dma_start3A_754 = arith.constant 0 : i32
      %dma_start3A_755 = tpu.memref_slice %arg6[%dma_start3A_737, %dma_start3A_753, %dma_start3A_754] : memref<10x64x128xf32, #tpu.memory_space<vmem>> -> memref<1x64x128xf32, #tpu.memory_space<vmem>>
      %dma_start3A_756 = tpu.memref_squeeze %dma_start3A_755 : memref<1x64x128xf32, #tpu.memory_space<vmem>> -> memref<64x128xf32, #tpu.memory_space<vmem>>
      tpu.enqueue_dma source(%dma_start3A_756 : memref<64x128xf32, #tpu.memory_space<vmem>>) target(%dma_start3A_752 : memref<64x128xf32, #tpu.memory_space<hbm>>) target_semaphore(%dma_start3A_748 : memref<!tpu.dma_semaphore, #tpu.memory_space<semaphore_mem>>)
      %ge3A_757 = arith.constant 1 : i32
      %ge3A_758 = arith.cmpi sge, %add3A_721, %ge3A_757 : i32
      %add3A_759 = arith.constant 10 : i32
      %add3A_760 = arith.addi %add3A_721, %add3A_759 : i32
      %sub3A_761 = arith.constant 1 : i32
      %sub3A_762 = arith.subi %add3A_760, %sub3A_761 : i32
      %lt3A_763 = arith.constant 100 : i32
      %lt3A_764 = arith.cmpi slt, %sub3A_762, %lt3A_763 : i32
      %and3A_765 = arith.andi %ge3A_758, %lt3A_764 : i1
      %convert_element_type3A_766 = arith.extui %and3A_765 : i1 to i32
      %cond3A_767 = arith.constant 0 : i32
      %cond3A_768 = arith.cmpi ne, %convert_element_type3A_766, %cond3A_767 : i32
      scf.if %cond3A_768 {
        %dma_wait3A_872 = arith.constant 6 : i32
        %dma_wait3A_873 = arith.constant 0 : i32
        %dma_wait3A_874 = arith.constant 6 : i32
        %dma_wait3A_875 = arith.constant 0 : i32
        %dma_wait3A_876 = arith.constant 0 : i32
        %dma_wait3A_877 = tpu.memref_slice %arg6[%dma_wait3A_872, %dma_wait3A_875, %dma_wait3A_876] : memref<10x64x128xf32, #tpu.memory_space<vmem>> -> memref<1x64x128xf32, #tpu.memory_space<vmem>>
        %dma_wait3A_878 = tpu.memref_squeeze %dma_wait3A_877 : memref<1x64x128xf32, #tpu.memory_space<vmem>> -> memref<64x128xf32, #tpu.memory_space<vmem>>
        %dma_wait3A_879 = arith.constant 0 : i32
        %dma_wait3A_880 = arith.constant 0 : i32
        %dma_wait3A_881 = tpu.memref_slice %arg4[%add3A, %dma_wait3A_873, %dma_wait3A_879, %dma_wait3A_880] : memref<32x100x64x128xf32, #tpu.memory_space<hbm>> -> memref<1x1x64x128xf32, #tpu.memory_space<hbm>>
        %dma_wait3A_882 = tpu.memref_squeeze %dma_wait3A_881 : memref<1x1x64x128xf32, #tpu.memory_space<hbm>> -> memref<64x128xf32, #tpu.memory_space<hbm>>
        %dma_wait3A_883 = tpu.memref_slice %arg8[%dma_wait3A_874] : memref<10x!tpu.dma_semaphore, #tpu.memory_space<semaphore_mem>> -> memref<1x!tpu.dma_semaphore, #tpu.memory_space<semaphore_mem>>
        %dma_wait3A_884 = tpu.memref_squeeze %dma_wait3A_883 : memref<1x!tpu.dma_semaphore, #tpu.memory_space<semaphore_mem>> -> memref<!tpu.dma_semaphore, #tpu.memory_space<semaphore_mem>>
        %dma_wait3A_885 = arith.constant 0 : i32
        %dma_wait3A_886 = arith.constant 0 : i32
        %dma_wait3A_887 = tpu.memref_slice %arg4[%add3A, %dma_wait3A_873, %dma_wait3A_885, %dma_wait3A_886] : memref<32x100x64x128xf32, #tpu.memory_space<hbm>> -> memref<1x1x64x128xf32, #tpu.memory_space<hbm>>
        %dma_wait3A_888 = tpu.memref_squeeze %dma_wait3A_887 : memref<1x1x64x128xf32, #tpu.memory_space<hbm>> -> memref<64x128xf32, #tpu.memory_space<hbm>>
        %dma_wait3A_889 = arith.constant 0 : i32
        %dma_wait3A_890 = arith.constant 0 : i32
        %dma_wait3A_891 = tpu.memref_slice %arg6[%dma_wait3A_872, %dma_wait3A_889, %dma_wait3A_890] : memref<10x64x128xf32, #tpu.memory_space<vmem>> -> memref<1x64x128xf32, #tpu.memory_space<vmem>>
        %dma_wait3A_892 = tpu.memref_squeeze %dma_wait3A_891 : memref<1x64x128xf32, #tpu.memory_space<vmem>> -> memref<64x128xf32, #tpu.memory_space<vmem>>
        tpu.wait_dma2 semaphore(%dma_wait3A_884 : memref<!tpu.dma_semaphore, #tpu.memory_space<semaphore_mem>>) src(%dma_wait3A_892 : memref<64x128xf32, #tpu.memory_space<vmem>>) dst(%dma_wait3A_888 : memref<64x128xf32, #tpu.memory_space<hbm>>)
        %add3A_893 = arith.constant 10 : i32
        %add3A_894 = arith.addi %add3A_721, %add3A_893 : i32
        %sub3A_895 = arith.constant 1 : i32
        %sub3A_896 = arith.subi %add3A_894, %sub3A_895 : i32
        %dma_start3A_897 = arith.constant 6 : i32
        %dma_start3A_898 = arith.constant 6 : i32
        %dma_start3A_899 = arith.constant 0 : i32
        %dma_start3A_900 = arith.constant 0 : i32
        %dma_start3A_901 = tpu.memref_slice %arg6[%dma_start3A_897, %dma_start3A_899, %dma_start3A_900] : memref<10x64x128xf32, #tpu.memory_space<vmem>> -> memref<1x64x128xf32, #tpu.memory_space<vmem>>
        %dma_start3A_902 = tpu.memref_squeeze %dma_start3A_901 : memref<1x64x128xf32, #tpu.memory_space<vmem>> -> memref<64x128xf32, #tpu.memory_space<vmem>>
        %dma_start3A_903 = arith.constant 0 : i32
        %dma_start3A_904 = tpu.memref_slice %arg5[%sub3A_896, %dma_start3A_903] : memref<100x64xi32, #tpu.memory_space<vmem>> -> memref<1x64xi32, #tpu.memory_space<vmem>>
        %dma_start3A_905 = tpu.memref_squeeze %dma_start3A_904 : memref<1x64xi32, #tpu.memory_space<vmem>> -> memref<64xi32, #tpu.memory_space<vmem>>
        %dma_start3A_906 = arith.constant 0 : i32
        %dma_start3A_907 = arith.constant 0 : i32
        %dma_start3A_908 = tpu.memref_slice %arg3[%dma_start3A_906, %dma_start3A_907] : memref<100000x128xf32, #tpu.memory_space<hbm>> -> memref<100000x128xf32, #tpu.memory_space<hbm>>
        %dma_start3A_909 = tpu.memref_slice %arg7[%dma_start3A_898] : memref<10x!tpu.dma_semaphore, #tpu.memory_space<semaphore_mem>> -> memref<1x!tpu.dma_semaphore, #tpu.memory_space<semaphore_mem>>
        %dma_start3A_910 = tpu.memref_squeeze %dma_start3A_909 : memref<1x!tpu.dma_semaphore, #tpu.memory_space<semaphore_mem>> -> memref<!tpu.dma_semaphore, #tpu.memory_space<semaphore_mem>>
        tpu.enqueue_indirect_dma source(%dma_start3A_908 : memref<100000x128xf32, #tpu.memory_space<hbm>>) target(%dma_start3A_902 : memref<64x128xf32, #tpu.memory_space<vmem>>) offsets(%dma_start3A_905 : memref<64xi32, #tpu.memory_space<vmem>>) semaphore(%dma_start3A_910 : memref<!tpu.dma_semaphore, #tpu.memory_space<semaphore_mem>>)
      } else {
      }
      %mul3A_769 = arith.constant 10 : i32
      %mul3A_770 = arith.muli %scan3A_365, %mul3A_769 : i32
      %add3A_771 = arith.constant 8 : i32
      %add3A_772 = arith.addi %mul3A_770, %add3A_771 : i32
      %dma_wait3A_773 = arith.constant 0 : i32
      %dma_wait3A_774 = arith.constant 8 : i32
      %dma_wait3A_775 = arith.constant 8 : i32
      %dma_wait3A_776 = arith.constant 0 : i32
      %dma_wait3A_777 = arith.constant 0 : i32
      %dma_wait3A_778 = tpu.memref_slice %arg6[%dma_wait3A_774, %dma_wait3A_776, %dma_wait3A_777] : memref<10x64x128xf32, #tpu.memory_space<vmem>> -> memref<1x64x128xf32, #tpu.memory_space<vmem>>
      %dma_wait3A_779 = tpu.memref_squeeze %dma_wait3A_778 : memref<1x64x128xf32, #tpu.memory_space<vmem>> -> memref<64x128xf32, #tpu.memory_space<vmem>>
      %dma_wait3A_780 = arith.constant 0 : i32
      %dma_wait3A_781 = tpu.memref_slice %arg5[%dma_wait3A_773, %dma_wait3A_780] : memref<100x64xi32, #tpu.memory_space<vmem>> -> memref<1x64xi32, #tpu.memory_space<vmem>>
      %dma_wait3A_782 = tpu.memref_squeeze %dma_wait3A_781 : memref<1x64xi32, #tpu.memory_space<vmem>> -> memref<64xi32, #tpu.memory_space<vmem>>
      %dma_wait3A_783 = arith.constant 0 : i32
      %dma_wait3A_784 = arith.constant 0 : i32
      %dma_wait3A_785 = tpu.memref_slice %arg3[%dma_wait3A_783, %dma_wait3A_784] : memref<100000x128xf32, #tpu.memory_space<hbm>> -> memref<100000x128xf32, #tpu.memory_space<hbm>>
      %dma_wait3A_786 = tpu.memref_slice %arg7[%dma_wait3A_775] : memref<10x!tpu.dma_semaphore, #tpu.memory_space<semaphore_mem>> -> memref<1x!tpu.dma_semaphore, #tpu.memory_space<semaphore_mem>>
      %dma_wait3A_787 = tpu.memref_squeeze %dma_wait3A_786 : memref<1x!tpu.dma_semaphore, #tpu.memory_space<semaphore_mem>> -> memref<!tpu.dma_semaphore, #tpu.memory_space<semaphore_mem>>
      tpu.wait_indirect_dma semaphore(%dma_wait3A_787 : memref<!tpu.dma_semaphore, #tpu.memory_space<semaphore_mem>>) src(%dma_wait3A_785 : memref<100000x128xf32, #tpu.memory_space<hbm>>) dst(%dma_wait3A_779 : memref<64x128xf32, #tpu.memory_space<vmem>>)
      %dma_start3A_788 = arith.constant 8 : i32
      %dma_start3A_789 = arith.constant 8 : i32
      %dma_start3A_790 = arith.constant 0 : i32
      %dma_start3A_791 = arith.constant 0 : i32
      %dma_start3A_792 = tpu.memref_slice %arg6[%dma_start3A_788, %dma_start3A_790, %dma_start3A_791] : memref<10x64x128xf32, #tpu.memory_space<vmem>> -> memref<1x64x128xf32, #tpu.memory_space<vmem>>
      %dma_start3A_793 = tpu.memref_squeeze %dma_start3A_792 : memref<1x64x128xf32, #tpu.memory_space<vmem>> -> memref<64x128xf32, #tpu.memory_space<vmem>>
      %dma_start3A_794 = arith.constant 0 : i32
      %dma_start3A_795 = arith.constant 0 : i32
      %dma_start3A_796 = tpu.memref_slice %arg4[%add3A, %add3A_772, %dma_start3A_794, %dma_start3A_795] : memref<32x100x64x128xf32, #tpu.memory_space<hbm>> -> memref<1x1x64x128xf32, #tpu.memory_space<hbm>>
      %dma_start3A_797 = tpu.memref_squeeze %dma_start3A_796 : memref<1x1x64x128xf32, #tpu.memory_space<hbm>> -> memref<64x128xf32, #tpu.memory_space<hbm>>
      %dma_start3A_798 = tpu.memref_slice %arg8[%dma_start3A_789] : memref<10x!tpu.dma_semaphore, #tpu.memory_space<semaphore_mem>> -> memref<1x!tpu.dma_semaphore, #tpu.memory_space<semaphore_mem>>
      %dma_start3A_799 = tpu.memref_squeeze %dma_start3A_798 : memref<1x!tpu.dma_semaphore, #tpu.memory_space<semaphore_mem>> -> memref<!tpu.dma_semaphore, #tpu.memory_space<semaphore_mem>>
      %dma_start3A_800 = arith.constant 0 : i32
      %dma_start3A_801 = arith.constant 0 : i32
      %dma_start3A_802 = tpu.memref_slice %arg4[%add3A, %add3A_772, %dma_start3A_800, %dma_start3A_801] : memref<32x100x64x128xf32, #tpu.memory_space<hbm>> -> memref<1x1x64x128xf32, #tpu.memory_space<hbm>>
      %dma_start3A_803 = tpu.memref_squeeze %dma_start3A_802 : memref<1x1x64x128xf32, #tpu.memory_space<hbm>> -> memref<64x128xf32, #tpu.memory_space<hbm>>
      %dma_start3A_804 = arith.constant 0 : i32
      %dma_start3A_805 = arith.constant 0 : i32
      %dma_start3A_806 = tpu.memref_slice %arg6[%dma_start3A_788, %dma_start3A_804, %dma_start3A_805] : memref<10x64x128xf32, #tpu.memory_space<vmem>> -> memref<1x64x128xf32, #tpu.memory_space<vmem>>
      %dma_start3A_807 = tpu.memref_squeeze %dma_start3A_806 : memref<1x64x128xf32, #tpu.memory_space<vmem>> -> memref<64x128xf32, #tpu.memory_space<vmem>>
      tpu.enqueue_dma source(%dma_start3A_807 : memref<64x128xf32, #tpu.memory_space<vmem>>) target(%dma_start3A_803 : memref<64x128xf32, #tpu.memory_space<hbm>>) target_semaphore(%dma_start3A_799 : memref<!tpu.dma_semaphore, #tpu.memory_space<semaphore_mem>>)
      %ge3A_808 = arith.constant 1 : i32
      %ge3A_809 = arith.cmpi sge, %add3A_772, %ge3A_808 : i32
      %add3A_810 = arith.constant 10 : i32
      %add3A_811 = arith.addi %add3A_772, %add3A_810 : i32
      %sub3A_812 = arith.constant 1 : i32
      %sub3A_813 = arith.subi %add3A_811, %sub3A_812 : i32
      %lt3A_814 = arith.constant 100 : i32
      %lt3A_815 = arith.cmpi slt, %sub3A_813, %lt3A_814 : i32
      %and3A_816 = arith.andi %ge3A_809, %lt3A_815 : i1
      %convert_element_type3A_817 = arith.extui %and3A_816 : i1 to i32
      %cond3A_818 = arith.constant 0 : i32
      %cond3A_819 = arith.cmpi ne, %convert_element_type3A_817, %cond3A_818 : i32
      scf.if %cond3A_819 {
        %dma_wait3A_872 = arith.constant 7 : i32
        %dma_wait3A_873 = arith.constant 0 : i32
        %dma_wait3A_874 = arith.constant 7 : i32
        %dma_wait3A_875 = arith.constant 0 : i32
        %dma_wait3A_876 = arith.constant 0 : i32
        %dma_wait3A_877 = tpu.memref_slice %arg6[%dma_wait3A_872, %dma_wait3A_875, %dma_wait3A_876] : memref<10x64x128xf32, #tpu.memory_space<vmem>> -> memref<1x64x128xf32, #tpu.memory_space<vmem>>
        %dma_wait3A_878 = tpu.memref_squeeze %dma_wait3A_877 : memref<1x64x128xf32, #tpu.memory_space<vmem>> -> memref<64x128xf32, #tpu.memory_space<vmem>>
        %dma_wait3A_879 = arith.constant 0 : i32
        %dma_wait3A_880 = arith.constant 0 : i32
        %dma_wait3A_881 = tpu.memref_slice %arg4[%add3A, %dma_wait3A_873, %dma_wait3A_879, %dma_wait3A_880] : memref<32x100x64x128xf32, #tpu.memory_space<hbm>> -> memref<1x1x64x128xf32, #tpu.memory_space<hbm>>
        %dma_wait3A_882 = tpu.memref_squeeze %dma_wait3A_881 : memref<1x1x64x128xf32, #tpu.memory_space<hbm>> -> memref<64x128xf32, #tpu.memory_space<hbm>>
        %dma_wait3A_883 = tpu.memref_slice %arg8[%dma_wait3A_874] : memref<10x!tpu.dma_semaphore, #tpu.memory_space<semaphore_mem>> -> memref<1x!tpu.dma_semaphore, #tpu.memory_space<semaphore_mem>>
        %dma_wait3A_884 = tpu.memref_squeeze %dma_wait3A_883 : memref<1x!tpu.dma_semaphore, #tpu.memory_space<semaphore_mem>> -> memref<!tpu.dma_semaphore, #tpu.memory_space<semaphore_mem>>
        %dma_wait3A_885 = arith.constant 0 : i32
        %dma_wait3A_886 = arith.constant 0 : i32
        %dma_wait3A_887 = tpu.memref_slice %arg4[%add3A, %dma_wait3A_873, %dma_wait3A_885, %dma_wait3A_886] : memref<32x100x64x128xf32, #tpu.memory_space<hbm>> -> memref<1x1x64x128xf32, #tpu.memory_space<hbm>>
        %dma_wait3A_888 = tpu.memref_squeeze %dma_wait3A_887 : memref<1x1x64x128xf32, #tpu.memory_space<hbm>> -> memref<64x128xf32, #tpu.memory_space<hbm>>
        %dma_wait3A_889 = arith.constant 0 : i32
        %dma_wait3A_890 = arith.constant 0 : i32
        %dma_wait3A_891 = tpu.memref_slice %arg6[%dma_wait3A_872, %dma_wait3A_889, %dma_wait3A_890] : memref<10x64x128xf32, #tpu.memory_space<vmem>> -> memref<1x64x128xf32, #tpu.memory_space<vmem>>
        %dma_wait3A_892 = tpu.memref_squeeze %dma_wait3A_891 : memref<1x64x128xf32, #tpu.memory_space<vmem>> -> memref<64x128xf32, #tpu.memory_space<vmem>>
        tpu.wait_dma2 semaphore(%dma_wait3A_884 : memref<!tpu.dma_semaphore, #tpu.memory_space<semaphore_mem>>) src(%dma_wait3A_892 : memref<64x128xf32, #tpu.memory_space<vmem>>) dst(%dma_wait3A_888 : memref<64x128xf32, #tpu.memory_space<hbm>>)
        %add3A_893 = arith.constant 10 : i32
        %add3A_894 = arith.addi %add3A_772, %add3A_893 : i32
        %sub3A_895 = arith.constant 1 : i32
        %sub3A_896 = arith.subi %add3A_894, %sub3A_895 : i32
        %dma_start3A_897 = arith.constant 7 : i32
        %dma_start3A_898 = arith.constant 7 : i32
        %dma_start3A_899 = arith.constant 0 : i32
        %dma_start3A_900 = arith.constant 0 : i32
        %dma_start3A_901 = tpu.memref_slice %arg6[%dma_start3A_897, %dma_start3A_899, %dma_start3A_900] : memref<10x64x128xf32, #tpu.memory_space<vmem>> -> memref<1x64x128xf32, #tpu.memory_space<vmem>>
        %dma_start3A_902 = tpu.memref_squeeze %dma_start3A_901 : memref<1x64x128xf32, #tpu.memory_space<vmem>> -> memref<64x128xf32, #tpu.memory_space<vmem>>
        %dma_start3A_903 = arith.constant 0 : i32
        %dma_start3A_904 = tpu.memref_slice %arg5[%sub3A_896, %dma_start3A_903] : memref<100x64xi32, #tpu.memory_space<vmem>> -> memref<1x64xi32, #tpu.memory_space<vmem>>
        %dma_start3A_905 = tpu.memref_squeeze %dma_start3A_904 : memref<1x64xi32, #tpu.memory_space<vmem>> -> memref<64xi32, #tpu.memory_space<vmem>>
        %dma_start3A_906 = arith.constant 0 : i32
        %dma_start3A_907 = arith.constant 0 : i32
        %dma_start3A_908 = tpu.memref_slice %arg3[%dma_start3A_906, %dma_start3A_907] : memref<100000x128xf32, #tpu.memory_space<hbm>> -> memref<100000x128xf32, #tpu.memory_space<hbm>>
        %dma_start3A_909 = tpu.memref_slice %arg7[%dma_start3A_898] : memref<10x!tpu.dma_semaphore, #tpu.memory_space<semaphore_mem>> -> memref<1x!tpu.dma_semaphore, #tpu.memory_space<semaphore_mem>>
        %dma_start3A_910 = tpu.memref_squeeze %dma_start3A_909 : memref<1x!tpu.dma_semaphore, #tpu.memory_space<semaphore_mem>> -> memref<!tpu.dma_semaphore, #tpu.memory_space<semaphore_mem>>
        tpu.enqueue_indirect_dma source(%dma_start3A_908 : memref<100000x128xf32, #tpu.memory_space<hbm>>) target(%dma_start3A_902 : memref<64x128xf32, #tpu.memory_space<vmem>>) offsets(%dma_start3A_905 : memref<64xi32, #tpu.memory_space<vmem>>) semaphore(%dma_start3A_910 : memref<!tpu.dma_semaphore, #tpu.memory_space<semaphore_mem>>)
      } else {
      }
      %mul3A_820 = arith.constant 10 : i32
      %mul3A_821 = arith.muli %scan3A_365, %mul3A_820 : i32
      %add3A_822 = arith.constant 9 : i32
      %add3A_823 = arith.addi %mul3A_821, %add3A_822 : i32
      %dma_wait3A_824 = arith.constant 0 : i32
      %dma_wait3A_825 = arith.constant 9 : i32
      %dma_wait3A_826 = arith.constant 9 : i32
      %dma_wait3A_827 = arith.constant 0 : i32
      %dma_wait3A_828 = arith.constant 0 : i32
      %dma_wait3A_829 = tpu.memref_slice %arg6[%dma_wait3A_825, %dma_wait3A_827, %dma_wait3A_828] : memref<10x64x128xf32, #tpu.memory_space<vmem>> -> memref<1x64x128xf32, #tpu.memory_space<vmem>>
      %dma_wait3A_830 = tpu.memref_squeeze %dma_wait3A_829 : memref<1x64x128xf32, #tpu.memory_space<vmem>> -> memref<64x128xf32, #tpu.memory_space<vmem>>
      %dma_wait3A_831 = arith.constant 0 : i32
      %dma_wait3A_832 = tpu.memref_slice %arg5[%dma_wait3A_824, %dma_wait3A_831] : memref<100x64xi32, #tpu.memory_space<vmem>> -> memref<1x64xi32, #tpu.memory_space<vmem>>
      %dma_wait3A_833 = tpu.memref_squeeze %dma_wait3A_832 : memref<1x64xi32, #tpu.memory_space<vmem>> -> memref<64xi32, #tpu.memory_space<vmem>>
      %dma_wait3A_834 = arith.constant 0 : i32
      %dma_wait3A_835 = arith.constant 0 : i32
      %dma_wait3A_836 = tpu.memref_slice %arg3[%dma_wait3A_834, %dma_wait3A_835] : memref<100000x128xf32, #tpu.memory_space<hbm>> -> memref<100000x128xf32, #tpu.memory_space<hbm>>
      %dma_wait3A_837 = tpu.memref_slice %arg7[%dma_wait3A_826] : memref<10x!tpu.dma_semaphore, #tpu.memory_space<semaphore_mem>> -> memref<1x!tpu.dma_semaphore, #tpu.memory_space<semaphore_mem>>
      %dma_wait3A_838 = tpu.memref_squeeze %dma_wait3A_837 : memref<1x!tpu.dma_semaphore, #tpu.memory_space<semaphore_mem>> -> memref<!tpu.dma_semaphore, #tpu.memory_space<semaphore_mem>>
      tpu.wait_indirect_dma semaphore(%dma_wait3A_838 : memref<!tpu.dma_semaphore, #tpu.memory_space<semaphore_mem>>) src(%dma_wait3A_836 : memref<100000x128xf32, #tpu.memory_space<hbm>>) dst(%dma_wait3A_830 : memref<64x128xf32, #tpu.memory_space<vmem>>)
      %dma_start3A_839 = arith.constant 9 : i32
      %dma_start3A_840 = arith.constant 9 : i32
      %dma_start3A_841 = arith.constant 0 : i32
      %dma_start3A_842 = arith.constant 0 : i32
      %dma_start3A_843 = tpu.memref_slice %arg6[%dma_start3A_839, %dma_start3A_841, %dma_start3A_842] : memref<10x64x128xf32, #tpu.memory_space<vmem>> -> memref<1x64x128xf32, #tpu.memory_space<vmem>>
      %dma_start3A_844 = tpu.memref_squeeze %dma_start3A_843 : memref<1x64x128xf32, #tpu.memory_space<vmem>> -> memref<64x128xf32, #tpu.memory_space<vmem>>
      %dma_start3A_845 = arith.constant 0 : i32
      %dma_start3A_846 = arith.constant 0 : i32
      %dma_start3A_847 = tpu.memref_slice %arg4[%add3A, %add3A_823, %dma_start3A_845, %dma_start3A_846] : memref<32x100x64x128xf32, #tpu.memory_space<hbm>> -> memref<1x1x64x128xf32, #tpu.memory_space<hbm>>
      %dma_start3A_848 = tpu.memref_squeeze %dma_start3A_847 : memref<1x1x64x128xf32, #tpu.memory_space<hbm>> -> memref<64x128xf32, #tpu.memory_space<hbm>>
      %dma_start3A_849 = tpu.memref_slice %arg8[%dma_start3A_840] : memref<10x!tpu.dma_semaphore, #tpu.memory_space<semaphore_mem>> -> memref<1x!tpu.dma_semaphore, #tpu.memory_space<semaphore_mem>>
      %dma_start3A_850 = tpu.memref_squeeze %dma_start3A_849 : memref<1x!tpu.dma_semaphore, #tpu.memory_space<semaphore_mem>> -> memref<!tpu.dma_semaphore, #tpu.memory_space<semaphore_mem>>
      %dma_start3A_851 = arith.constant 0 : i32
      %dma_start3A_852 = arith.constant 0 : i32
      %dma_start3A_853 = tpu.memref_slice %arg4[%add3A, %add3A_823, %dma_start3A_851, %dma_start3A_852] : memref<32x100x64x128xf32, #tpu.memory_space<hbm>> -> memref<1x1x64x128xf32, #tpu.memory_space<hbm>>
      %dma_start3A_854 = tpu.memref_squeeze %dma_start3A_853 : memref<1x1x64x128xf32, #tpu.memory_space<hbm>> -> memref<64x128xf32, #tpu.memory_space<hbm>>
      %dma_start3A_855 = arith.constant 0 : i32
      %dma_start3A_856 = arith.constant 0 : i32
      %dma_start3A_857 = tpu.memref_slice %arg6[%dma_start3A_839, %dma_start3A_855, %dma_start3A_856] : memref<10x64x128xf32, #tpu.memory_space<vmem>> -> memref<1x64x128xf32, #tpu.memory_space<vmem>>
      %dma_start3A_858 = tpu.memref_squeeze %dma_start3A_857 : memref<1x64x128xf32, #tpu.memory_space<vmem>> -> memref<64x128xf32, #tpu.memory_space<vmem>>
      tpu.enqueue_dma source(%dma_start3A_858 : memref<64x128xf32, #tpu.memory_space<vmem>>) target(%dma_start3A_854 : memref<64x128xf32, #tpu.memory_space<hbm>>) target_semaphore(%dma_start3A_850 : memref<!tpu.dma_semaphore, #tpu.memory_space<semaphore_mem>>)
      %ge3A_859 = arith.constant 1 : i32
      %ge3A_860 = arith.cmpi sge, %add3A_823, %ge3A_859 : i32
      %add3A_861 = arith.constant 10 : i32
      %add3A_862 = arith.addi %add3A_823, %add3A_861 : i32
      %sub3A_863 = arith.constant 1 : i32
      %sub3A_864 = arith.subi %add3A_862, %sub3A_863 : i32
      %lt3A_865 = arith.constant 100 : i32
      %lt3A_866 = arith.cmpi slt, %sub3A_864, %lt3A_865 : i32
      %and3A_867 = arith.andi %ge3A_860, %lt3A_866 : i1
      %convert_element_type3A_868 = arith.extui %and3A_867 : i1 to i32
      %cond3A_869 = arith.constant 0 : i32
      %cond3A_870 = arith.cmpi ne, %convert_element_type3A_868, %cond3A_869 : i32
      scf.if %cond3A_870 {
        %dma_wait3A_872 = arith.constant 8 : i32
        %dma_wait3A_873 = arith.constant 0 : i32
        %dma_wait3A_874 = arith.constant 8 : i32
        %dma_wait3A_875 = arith.constant 0 : i32
        %dma_wait3A_876 = arith.constant 0 : i32
        %dma_wait3A_877 = tpu.memref_slice %arg6[%dma_wait3A_872, %dma_wait3A_875, %dma_wait3A_876] : memref<10x64x128xf32, #tpu.memory_space<vmem>> -> memref<1x64x128xf32, #tpu.memory_space<vmem>>
        %dma_wait3A_878 = tpu.memref_squeeze %dma_wait3A_877 : memref<1x64x128xf32, #tpu.memory_space<vmem>> -> memref<64x128xf32, #tpu.memory_space<vmem>>
        %dma_wait3A_879 = arith.constant 0 : i32
        %dma_wait3A_880 = arith.constant 0 : i32
        %dma_wait3A_881 = tpu.memref_slice %arg4[%add3A, %dma_wait3A_873, %dma_wait3A_879, %dma_wait3A_880] : memref<32x100x64x128xf32, #tpu.memory_space<hbm>> -> memref<1x1x64x128xf32, #tpu.memory_space<hbm>>
        %dma_wait3A_882 = tpu.memref_squeeze %dma_wait3A_881 : memref<1x1x64x128xf32, #tpu.memory_space<hbm>> -> memref<64x128xf32, #tpu.memory_space<hbm>>
        %dma_wait3A_883 = tpu.memref_slice %arg8[%dma_wait3A_874] : memref<10x!tpu.dma_semaphore, #tpu.memory_space<semaphore_mem>> -> memref<1x!tpu.dma_semaphore, #tpu.memory_space<semaphore_mem>>
        %dma_wait3A_884 = tpu.memref_squeeze %dma_wait3A_883 : memref<1x!tpu.dma_semaphore, #tpu.memory_space<semaphore_mem>> -> memref<!tpu.dma_semaphore, #tpu.memory_space<semaphore_mem>>
        %dma_wait3A_885 = arith.constant 0 : i32
        %dma_wait3A_886 = arith.constant 0 : i32
        %dma_wait3A_887 = tpu.memref_slice %arg4[%add3A, %dma_wait3A_873, %dma_wait3A_885, %dma_wait3A_886] : memref<32x100x64x128xf32, #tpu.memory_space<hbm>> -> memref<1x1x64x128xf32, #tpu.memory_space<hbm>>
        %dma_wait3A_888 = tpu.memref_squeeze %dma_wait3A_887 : memref<1x1x64x128xf32, #tpu.memory_space<hbm>> -> memref<64x128xf32, #tpu.memory_space<hbm>>
        %dma_wait3A_889 = arith.constant 0 : i32
        %dma_wait3A_890 = arith.constant 0 : i32
        %dma_wait3A_891 = tpu.memref_slice %arg6[%dma_wait3A_872, %dma_wait3A_889, %dma_wait3A_890] : memref<10x64x128xf32, #tpu.memory_space<vmem>> -> memref<1x64x128xf32, #tpu.memory_space<vmem>>
        %dma_wait3A_892 = tpu.memref_squeeze %dma_wait3A_891 : memref<1x64x128xf32, #tpu.memory_space<vmem>> -> memref<64x128xf32, #tpu.memory_space<vmem>>
        tpu.wait_dma2 semaphore(%dma_wait3A_884 : memref<!tpu.dma_semaphore, #tpu.memory_space<semaphore_mem>>) src(%dma_wait3A_892 : memref<64x128xf32, #tpu.memory_space<vmem>>) dst(%dma_wait3A_888 : memref<64x128xf32, #tpu.memory_space<hbm>>)
        %add3A_893 = arith.constant 10 : i32
        %add3A_894 = arith.addi %add3A_823, %add3A_893 : i32
        %sub3A_895 = arith.constant 1 : i32
        %sub3A_896 = arith.subi %add3A_894, %sub3A_895 : i32
        %dma_start3A_897 = arith.constant 8 : i32
        %dma_start3A_898 = arith.constant 8 : i32
        %dma_start3A_899 = arith.constant 0 : i32
        %dma_start3A_900 = arith.constant 0 : i32
        %dma_start3A_901 = tpu.memref_slice %arg6[%dma_start3A_897, %dma_start3A_899, %dma_start3A_900] : memref<10x64x128xf32, #tpu.memory_space<vmem>> -> memref<1x64x128xf32, #tpu.memory_space<vmem>>
        %dma_start3A_902 = tpu.memref_squeeze %dma_start3A_901 : memref<1x64x128xf32, #tpu.memory_space<vmem>> -> memref<64x128xf32, #tpu.memory_space<vmem>>
        %dma_start3A_903 = arith.constant 0 : i32
        %dma_start3A_904 = tpu.memref_slice %arg5[%sub3A_896, %dma_start3A_903] : memref<100x64xi32, #tpu.memory_space<vmem>> -> memref<1x64xi32, #tpu.memory_space<vmem>>
        %dma_start3A_905 = tpu.memref_squeeze %dma_start3A_904 : memref<1x64xi32, #tpu.memory_space<vmem>> -> memref<64xi32, #tpu.memory_space<vmem>>
        %dma_start3A_906 = arith.constant 0 : i32
        %dma_start3A_907 = arith.constant 0 : i32
        %dma_start3A_908 = tpu.memref_slice %arg3[%dma_start3A_906, %dma_start3A_907] : memref<100000x128xf32, #tpu.memory_space<hbm>> -> memref<100000x128xf32, #tpu.memory_space<hbm>>
        %dma_start3A_909 = tpu.memref_slice %arg7[%dma_start3A_898] : memref<10x!tpu.dma_semaphore, #tpu.memory_space<semaphore_mem>> -> memref<1x!tpu.dma_semaphore, #tpu.memory_space<semaphore_mem>>
        %dma_start3A_910 = tpu.memref_squeeze %dma_start3A_909 : memref<1x!tpu.dma_semaphore, #tpu.memory_space<semaphore_mem>> -> memref<!tpu.dma_semaphore, #tpu.memory_space<semaphore_mem>>
        tpu.enqueue_indirect_dma source(%dma_start3A_908 : memref<100000x128xf32, #tpu.memory_space<hbm>>) target(%dma_start3A_902 : memref<64x128xf32, #tpu.memory_space<vmem>>) offsets(%dma_start3A_905 : memref<64xi32, #tpu.memory_space<vmem>>) semaphore(%dma_start3A_910 : memref<!tpu.dma_semaphore, #tpu.memory_space<semaphore_mem>>)
      } else {
      }
      %scan3A_871 = arith.constant 0 : i32
      scf.yield %scan3A_871 : i32
    }
    %scan3A_155 = arith.constant 10 : i32
    %dma_wait3A = arith.constant 0 : i32
    %dma_wait3A_156 = arith.constant 0 : i32
    %dma_wait3A_157 = arith.constant 0 : i32
    %dma_wait3A_158 = arith.constant 0 : i32
    %dma_wait3A_159 = arith.constant 0 : i32
    %dma_wait3A_160 = tpu.memref_slice %arg6[%dma_wait3A, %dma_wait3A_158, %dma_wait3A_159] : memref<10x64x128xf32, #tpu.memory_space<vmem>> -> memref<1x64x128xf32, #tpu.memory_space<vmem>>
    %dma_wait3A_161 = tpu.memref_squeeze %dma_wait3A_160 : memref<1x64x128xf32, #tpu.memory_space<vmem>> -> memref<64x128xf32, #tpu.memory_space<vmem>>
    %dma_wait3A_162 = arith.constant 0 : i32
    %dma_wait3A_163 = arith.constant 0 : i32
    %dma_wait3A_164 = tpu.memref_slice %arg4[%add3A, %dma_wait3A_156, %dma_wait3A_162, %dma_wait3A_163] : memref<32x100x64x128xf32, #tpu.memory_space<hbm>> -> memref<1x1x64x128xf32, #tpu.memory_space<hbm>>
    %dma_wait3A_165 = tpu.memref_squeeze %dma_wait3A_164 : memref<1x1x64x128xf32, #tpu.memory_space<hbm>> -> memref<64x128xf32, #tpu.memory_space<hbm>>
    %dma_wait3A_166 = tpu.memref_slice %arg8[%dma_wait3A_157] : memref<10x!tpu.dma_semaphore, #tpu.memory_space<semaphore_mem>> -> memref<1x!tpu.dma_semaphore, #tpu.memory_space<semaphore_mem>>
    %dma_wait3A_167 = tpu.memref_squeeze %dma_wait3A_166 : memref<1x!tpu.dma_semaphore, #tpu.memory_space<semaphore_mem>> -> memref<!tpu.dma_semaphore, #tpu.memory_space<semaphore_mem>>
    %dma_wait3A_168 = arith.constant 0 : i32
    %dma_wait3A_169 = arith.constant 0 : i32
    %dma_wait3A_170 = tpu.memref_slice %arg4[%add3A, %dma_wait3A_156, %dma_wait3A_168, %dma_wait3A_169] : memref<32x100x64x128xf32, #tpu.memory_space<hbm>> -> memref<1x1x64x128xf32, #tpu.memory_space<hbm>>
    %dma_wait3A_171 = tpu.memref_squeeze %dma_wait3A_170 : memref<1x1x64x128xf32, #tpu.memory_space<hbm>> -> memref<64x128xf32, #tpu.memory_space<hbm>>
    %dma_wait3A_172 = arith.constant 0 : i32
    %dma_wait3A_173 = arith.constant 0 : i32
    %dma_wait3A_174 = tpu.memref_slice %arg6[%dma_wait3A, %dma_wait3A_172, %dma_wait3A_173] : memref<10x64x128xf32, #tpu.memory_space<vmem>> -> memref<1x64x128xf32, #tpu.memory_space<vmem>>
    %dma_wait3A_175 = tpu.memref_squeeze %dma_wait3A_174 : memref<1x64x128xf32, #tpu.memory_space<vmem>> -> memref<64x128xf32, #tpu.memory_space<vmem>>
    tpu.wait_dma2 semaphore(%dma_wait3A_167 : memref<!tpu.dma_semaphore, #tpu.memory_space<semaphore_mem>>) src(%dma_wait3A_175 : memref<64x128xf32, #tpu.memory_space<vmem>>) dst(%dma_wait3A_171 : memref<64x128xf32, #tpu.memory_space<hbm>>)
    %dma_wait3A_176 = arith.constant 1 : i32
    %dma_wait3A_177 = arith.constant 0 : i32
    %dma_wait3A_178 = arith.constant 1 : i32
    %dma_wait3A_179 = arith.constant 0 : i32
    %dma_wait3A_180 = arith.constant 0 : i32
    %dma_wait3A_181 = tpu.memref_slice %arg6[%dma_wait3A_176, %dma_wait3A_179, %dma_wait3A_180] : memref<10x64x128xf32, #tpu.memory_space<vmem>> -> memref<1x64x128xf32, #tpu.memory_space<vmem>>
    %dma_wait3A_182 = tpu.memref_squeeze %dma_wait3A_181 : memref<1x64x128xf32, #tpu.memory_space<vmem>> -> memref<64x128xf32, #tpu.memory_space<vmem>>
    %dma_wait3A_183 = arith.constant 0 : i32
    %dma_wait3A_184 = arith.constant 0 : i32
    %dma_wait3A_185 = tpu.memref_slice %arg4[%add3A, %dma_wait3A_177, %dma_wait3A_183, %dma_wait3A_184] : memref<32x100x64x128xf32, #tpu.memory_space<hbm>> -> memref<1x1x64x128xf32, #tpu.memory_space<hbm>>
    %dma_wait3A_186 = tpu.memref_squeeze %dma_wait3A_185 : memref<1x1x64x128xf32, #tpu.memory_space<hbm>> -> memref<64x128xf32, #tpu.memory_space<hbm>>
    %dma_wait3A_187 = tpu.memref_slice %arg8[%dma_wait3A_178] : memref<10x!tpu.dma_semaphore, #tpu.memory_space<semaphore_mem>> -> memref<1x!tpu.dma_semaphore, #tpu.memory_space<semaphore_mem>>
    %dma_wait3A_188 = tpu.memref_squeeze %dma_wait3A_187 : memref<1x!tpu.dma_semaphore, #tpu.memory_space<semaphore_mem>> -> memref<!tpu.dma_semaphore, #tpu.memory_space<semaphore_mem>>
    %dma_wait3A_189 = arith.constant 0 : i32
    %dma_wait3A_190 = arith.constant 0 : i32
    %dma_wait3A_191 = tpu.memref_slice %arg4[%add3A, %dma_wait3A_177, %dma_wait3A_189, %dma_wait3A_190] : memref<32x100x64x128xf32, #tpu.memory_space<hbm>> -> memref<1x1x64x128xf32, #tpu.memory_space<hbm>>
    %dma_wait3A_192 = tpu.memref_squeeze %dma_wait3A_191 : memref<1x1x64x128xf32, #tpu.memory_space<hbm>> -> memref<64x128xf32, #tpu.memory_space<hbm>>
    %dma_wait3A_193 = arith.constant 0 : i32
    %dma_wait3A_194 = arith.constant 0 : i32
    %dma_wait3A_195 = tpu.memref_slice %arg6[%dma_wait3A_176, %dma_wait3A_193, %dma_wait3A_194] : memref<10x64x128xf32, #tpu.memory_space<vmem>> -> memref<1x64x128xf32, #tpu.memory_space<vmem>>
    %dma_wait3A_196 = tpu.memref_squeeze %dma_wait3A_195 : memref<1x64x128xf32, #tpu.memory_space<vmem>> -> memref<64x128xf32, #tpu.memory_space<vmem>>
    tpu.wait_dma2 semaphore(%dma_wait3A_188 : memref<!tpu.dma_semaphore, #tpu.memory_space<semaphore_mem>>) src(%dma_wait3A_196 : memref<64x128xf32, #tpu.memory_space<vmem>>) dst(%dma_wait3A_192 : memref<64x128xf32, #tpu.memory_space<hbm>>)
    %dma_wait3A_197 = arith.constant 2 : i32
    %dma_wait3A_198 = arith.constant 0 : i32
    %dma_wait3A_199 = arith.constant 2 : i32
    %dma_wait3A_200 = arith.constant 0 : i32
    %dma_wait3A_201 = arith.constant 0 : i32
    %dma_wait3A_202 = tpu.memref_slice %arg6[%dma_wait3A_197, %dma_wait3A_200, %dma_wait3A_201] : memref<10x64x128xf32, #tpu.memory_space<vmem>> -> memref<1x64x128xf32, #tpu.memory_space<vmem>>
    %dma_wait3A_203 = tpu.memref_squeeze %dma_wait3A_202 : memref<1x64x128xf32, #tpu.memory_space<vmem>> -> memref<64x128xf32, #tpu.memory_space<vmem>>
    %dma_wait3A_204 = arith.constant 0 : i32
    %dma_wait3A_205 = arith.constant 0 : i32
    %dma_wait3A_206 = tpu.memref_slice %arg4[%add3A, %dma_wait3A_198, %dma_wait3A_204, %dma_wait3A_205] : memref<32x100x64x128xf32, #tpu.memory_space<hbm>> -> memref<1x1x64x128xf32, #tpu.memory_space<hbm>>
    %dma_wait3A_207 = tpu.memref_squeeze %dma_wait3A_206 : memref<1x1x64x128xf32, #tpu.memory_space<hbm>> -> memref<64x128xf32, #tpu.memory_space<hbm>>
    %dma_wait3A_208 = tpu.memref_slice %arg8[%dma_wait3A_199] : memref<10x!tpu.dma_semaphore, #tpu.memory_space<semaphore_mem>> -> memref<1x!tpu.dma_semaphore, #tpu.memory_space<semaphore_mem>>
    %dma_wait3A_209 = tpu.memref_squeeze %dma_wait3A_208 : memref<1x!tpu.dma_semaphore, #tpu.memory_space<semaphore_mem>> -> memref<!tpu.dma_semaphore, #tpu.memory_space<semaphore_mem>>
    %dma_wait3A_210 = arith.constant 0 : i32
    %dma_wait3A_211 = arith.constant 0 : i32
    %dma_wait3A_212 = tpu.memref_slice %arg4[%add3A, %dma_wait3A_198, %dma_wait3A_210, %dma_wait3A_211] : memref<32x100x64x128xf32, #tpu.memory_space<hbm>> -> memref<1x1x64x128xf32, #tpu.memory_space<hbm>>
    %dma_wait3A_213 = tpu.memref_squeeze %dma_wait3A_212 : memref<1x1x64x128xf32, #tpu.memory_space<hbm>> -> memref<64x128xf32, #tpu.memory_space<hbm>>
    %dma_wait3A_214 = arith.constant 0 : i32
    %dma_wait3A_215 = arith.constant 0 : i32
    %dma_wait3A_216 = tpu.memref_slice %arg6[%dma_wait3A_197, %dma_wait3A_214, %dma_wait3A_215] : memref<10x64x128xf32, #tpu.memory_space<vmem>> -> memref<1x64x128xf32, #tpu.memory_space<vmem>>
    %dma_wait3A_217 = tpu.memref_squeeze %dma_wait3A_216 : memref<1x64x128xf32, #tpu.memory_space<vmem>> -> memref<64x128xf32, #tpu.memory_space<vmem>>
    tpu.wait_dma2 semaphore(%dma_wait3A_209 : memref<!tpu.dma_semaphore, #tpu.memory_space<semaphore_mem>>) src(%dma_wait3A_217 : memref<64x128xf32, #tpu.memory_space<vmem>>) dst(%dma_wait3A_213 : memref<64x128xf32, #tpu.memory_space<hbm>>)
    %dma_wait3A_218 = arith.constant 3 : i32
    %dma_wait3A_219 = arith.constant 0 : i32
    %dma_wait3A_220 = arith.constant 3 : i32
    %dma_wait3A_221 = arith.constant 0 : i32
    %dma_wait3A_222 = arith.constant 0 : i32
    %dma_wait3A_223 = tpu.memref_slice %arg6[%dma_wait3A_218, %dma_wait3A_221, %dma_wait3A_222] : memref<10x64x128xf32, #tpu.memory_space<vmem>> -> memref<1x64x128xf32, #tpu.memory_space<vmem>>
    %dma_wait3A_224 = tpu.memref_squeeze %dma_wait3A_223 : memref<1x64x128xf32, #tpu.memory_space<vmem>> -> memref<64x128xf32, #tpu.memory_space<vmem>>
    %dma_wait3A_225 = arith.constant 0 : i32
    %dma_wait3A_226 = arith.constant 0 : i32
    %dma_wait3A_227 = tpu.memref_slice %arg4[%add3A, %dma_wait3A_219, %dma_wait3A_225, %dma_wait3A_226] : memref<32x100x64x128xf32, #tpu.memory_space<hbm>> -> memref<1x1x64x128xf32, #tpu.memory_space<hbm>>
    %dma_wait3A_228 = tpu.memref_squeeze %dma_wait3A_227 : memref<1x1x64x128xf32, #tpu.memory_space<hbm>> -> memref<64x128xf32, #tpu.memory_space<hbm>>
    %dma_wait3A_229 = tpu.memref_slice %arg8[%dma_wait3A_220] : memref<10x!tpu.dma_semaphore, #tpu.memory_space<semaphore_mem>> -> memref<1x!tpu.dma_semaphore, #tpu.memory_space<semaphore_mem>>
    %dma_wait3A_230 = tpu.memref_squeeze %dma_wait3A_229 : memref<1x!tpu.dma_semaphore, #tpu.memory_space<semaphore_mem>> -> memref<!tpu.dma_semaphore, #tpu.memory_space<semaphore_mem>>
    %dma_wait3A_231 = arith.constant 0 : i32
    %dma_wait3A_232 = arith.constant 0 : i32
    %dma_wait3A_233 = tpu.memref_slice %arg4[%add3A, %dma_wait3A_219, %dma_wait3A_231, %dma_wait3A_232] : memref<32x100x64x128xf32, #tpu.memory_space<hbm>> -> memref<1x1x64x128xf32, #tpu.memory_space<hbm>>
    %dma_wait3A_234 = tpu.memref_squeeze %dma_wait3A_233 : memref<1x1x64x128xf32, #tpu.memory_space<hbm>> -> memref<64x128xf32, #tpu.memory_space<hbm>>
    %dma_wait3A_235 = arith.constant 0 : i32
    %dma_wait3A_236 = arith.constant 0 : i32
    %dma_wait3A_237 = tpu.memref_slice %arg6[%dma_wait3A_218, %dma_wait3A_235, %dma_wait3A_236] : memref<10x64x128xf32, #tpu.memory_space<vmem>> -> memref<1x64x128xf32, #tpu.memory_space<vmem>>
    %dma_wait3A_238 = tpu.memref_squeeze %dma_wait3A_237 : memref<1x64x128xf32, #tpu.memory_space<vmem>> -> memref<64x128xf32, #tpu.memory_space<vmem>>
    tpu.wait_dma2 semaphore(%dma_wait3A_230 : memref<!tpu.dma_semaphore, #tpu.memory_space<semaphore_mem>>) src(%dma_wait3A_238 : memref<64x128xf32, #tpu.memory_space<vmem>>) dst(%dma_wait3A_234 : memref<64x128xf32, #tpu.memory_space<hbm>>)
    %dma_wait3A_239 = arith.constant 4 : i32
    %dma_wait3A_240 = arith.constant 0 : i32
    %dma_wait3A_241 = arith.constant 4 : i32
    %dma_wait3A_242 = arith.constant 0 : i32
    %dma_wait3A_243 = arith.constant 0 : i32
    %dma_wait3A_244 = tpu.memref_slice %arg6[%dma_wait3A_239, %dma_wait3A_242, %dma_wait3A_243] : memref<10x64x128xf32, #tpu.memory_space<vmem>> -> memref<1x64x128xf32, #tpu.memory_space<vmem>>
    %dma_wait3A_245 = tpu.memref_squeeze %dma_wait3A_244 : memref<1x64x128xf32, #tpu.memory_space<vmem>> -> memref<64x128xf32, #tpu.memory_space<vmem>>
    %dma_wait3A_246 = arith.constant 0 : i32
    %dma_wait3A_247 = arith.constant 0 : i32
    %dma_wait3A_248 = tpu.memref_slice %arg4[%add3A, %dma_wait3A_240, %dma_wait3A_246, %dma_wait3A_247] : memref<32x100x64x128xf32, #tpu.memory_space<hbm>> -> memref<1x1x64x128xf32, #tpu.memory_space<hbm>>
    %dma_wait3A_249 = tpu.memref_squeeze %dma_wait3A_248 : memref<1x1x64x128xf32, #tpu.memory_space<hbm>> -> memref<64x128xf32, #tpu.memory_space<hbm>>
    %dma_wait3A_250 = tpu.memref_slice %arg8[%dma_wait3A_241] : memref<10x!tpu.dma_semaphore, #tpu.memory_space<semaphore_mem>> -> memref<1x!tpu.dma_semaphore, #tpu.memory_space<semaphore_mem>>
    %dma_wait3A_251 = tpu.memref_squeeze %dma_wait3A_250 : memref<1x!tpu.dma_semaphore, #tpu.memory_space<semaphore_mem>> -> memref<!tpu.dma_semaphore, #tpu.memory_space<semaphore_mem>>
    %dma_wait3A_252 = arith.constant 0 : i32
    %dma_wait3A_253 = arith.constant 0 : i32
    %dma_wait3A_254 = tpu.memref_slice %arg4[%add3A, %dma_wait3A_240, %dma_wait3A_252, %dma_wait3A_253] : memref<32x100x64x128xf32, #tpu.memory_space<hbm>> -> memref<1x1x64x128xf32, #tpu.memory_space<hbm>>
    %dma_wait3A_255 = tpu.memref_squeeze %dma_wait3A_254 : memref<1x1x64x128xf32, #tpu.memory_space<hbm>> -> memref<64x128xf32, #tpu.memory_space<hbm>>
    %dma_wait3A_256 = arith.constant 0 : i32
    %dma_wait3A_257 = arith.constant 0 : i32
    %dma_wait3A_258 = tpu.memref_slice %arg6[%dma_wait3A_239, %dma_wait3A_256, %dma_wait3A_257] : memref<10x64x128xf32, #tpu.memory_space<vmem>> -> memref<1x64x128xf32, #tpu.memory_space<vmem>>
    %dma_wait3A_259 = tpu.memref_squeeze %dma_wait3A_258 : memref<1x64x128xf32, #tpu.memory_space<vmem>> -> memref<64x128xf32, #tpu.memory_space<vmem>>
    tpu.wait_dma2 semaphore(%dma_wait3A_251 : memref<!tpu.dma_semaphore, #tpu.memory_space<semaphore_mem>>) src(%dma_wait3A_259 : memref<64x128xf32, #tpu.memory_space<vmem>>) dst(%dma_wait3A_255 : memref<64x128xf32, #tpu.memory_space<hbm>>)
    %dma_wait3A_260 = arith.constant 5 : i32
    %dma_wait3A_261 = arith.constant 0 : i32
    %dma_wait3A_262 = arith.constant 5 : i32
    %dma_wait3A_263 = arith.constant 0 : i32
    %dma_wait3A_264 = arith.constant 0 : i32
    %dma_wait3A_265 = tpu.memref_slice %arg6[%dma_wait3A_260, %dma_wait3A_263, %dma_wait3A_264] : memref<10x64x128xf32, #tpu.memory_space<vmem>> -> memref<1x64x128xf32, #tpu.memory_space<vmem>>
    %dma_wait3A_266 = tpu.memref_squeeze %dma_wait3A_265 : memref<1x64x128xf32, #tpu.memory_space<vmem>> -> memref<64x128xf32, #tpu.memory_space<vmem>>
    %dma_wait3A_267 = arith.constant 0 : i32
    %dma_wait3A_268 = arith.constant 0 : i32
    %dma_wait3A_269 = tpu.memref_slice %arg4[%add3A, %dma_wait3A_261, %dma_wait3A_267, %dma_wait3A_268] : memref<32x100x64x128xf32, #tpu.memory_space<hbm>> -> memref<1x1x64x128xf32, #tpu.memory_space<hbm>>
    %dma_wait3A_270 = tpu.memref_squeeze %dma_wait3A_269 : memref<1x1x64x128xf32, #tpu.memory_space<hbm>> -> memref<64x128xf32, #tpu.memory_space<hbm>>
    %dma_wait3A_271 = tpu.memref_slice %arg8[%dma_wait3A_262] : memref<10x!tpu.dma_semaphore, #tpu.memory_space<semaphore_mem>> -> memref<1x!tpu.dma_semaphore, #tpu.memory_space<semaphore_mem>>
    %dma_wait3A_272 = tpu.memref_squeeze %dma_wait3A_271 : memref<1x!tpu.dma_semaphore, #tpu.memory_space<semaphore_mem>> -> memref<!tpu.dma_semaphore, #tpu.memory_space<semaphore_mem>>
    %dma_wait3A_273 = arith.constant 0 : i32
    %dma_wait3A_274 = arith.constant 0 : i32
    %dma_wait3A_275 = tpu.memref_slice %arg4[%add3A, %dma_wait3A_261, %dma_wait3A_273, %dma_wait3A_274] : memref<32x100x64x128xf32, #tpu.memory_space<hbm>> -> memref<1x1x64x128xf32, #tpu.memory_space<hbm>>
    %dma_wait3A_276 = tpu.memref_squeeze %dma_wait3A_275 : memref<1x1x64x128xf32, #tpu.memory_space<hbm>> -> memref<64x128xf32, #tpu.memory_space<hbm>>
    %dma_wait3A_277 = arith.constant 0 : i32
    %dma_wait3A_278 = arith.constant 0 : i32
    %dma_wait3A_279 = tpu.memref_slice %arg6[%dma_wait3A_260, %dma_wait3A_277, %dma_wait3A_278] : memref<10x64x128xf32, #tpu.memory_space<vmem>> -> memref<1x64x128xf32, #tpu.memory_space<vmem>>
    %dma_wait3A_280 = tpu.memref_squeeze %dma_wait3A_279 : memref<1x64x128xf32, #tpu.memory_space<vmem>> -> memref<64x128xf32, #tpu.memory_space<vmem>>
    tpu.wait_dma2 semaphore(%dma_wait3A_272 : memref<!tpu.dma_semaphore, #tpu.memory_space<semaphore_mem>>) src(%dma_wait3A_280 : memref<64x128xf32, #tpu.memory_space<vmem>>) dst(%dma_wait3A_276 : memref<64x128xf32, #tpu.memory_space<hbm>>)
    %dma_wait3A_281 = arith.constant 6 : i32
    %dma_wait3A_282 = arith.constant 0 : i32
    %dma_wait3A_283 = arith.constant 6 : i32
    %dma_wait3A_284 = arith.constant 0 : i32
    %dma_wait3A_285 = arith.constant 0 : i32
    %dma_wait3A_286 = tpu.memref_slice %arg6[%dma_wait3A_281, %dma_wait3A_284, %dma_wait3A_285] : memref<10x64x128xf32, #tpu.memory_space<vmem>> -> memref<1x64x128xf32, #tpu.memory_space<vmem>>
    %dma_wait3A_287 = tpu.memref_squeeze %dma_wait3A_286 : memref<1x64x128xf32, #tpu.memory_space<vmem>> -> memref<64x128xf32, #tpu.memory_space<vmem>>
    %dma_wait3A_288 = arith.constant 0 : i32
    %dma_wait3A_289 = arith.constant 0 : i32
    %dma_wait3A_290 = tpu.memref_slice %arg4[%add3A, %dma_wait3A_282, %dma_wait3A_288, %dma_wait3A_289] : memref<32x100x64x128xf32, #tpu.memory_space<hbm>> -> memref<1x1x64x128xf32, #tpu.memory_space<hbm>>
    %dma_wait3A_291 = tpu.memref_squeeze %dma_wait3A_290 : memref<1x1x64x128xf32, #tpu.memory_space<hbm>> -> memref<64x128xf32, #tpu.memory_space<hbm>>
    %dma_wait3A_292 = tpu.memref_slice %arg8[%dma_wait3A_283] : memref<10x!tpu.dma_semaphore, #tpu.memory_space<semaphore_mem>> -> memref<1x!tpu.dma_semaphore, #tpu.memory_space<semaphore_mem>>
    %dma_wait3A_293 = tpu.memref_squeeze %dma_wait3A_292 : memref<1x!tpu.dma_semaphore, #tpu.memory_space<semaphore_mem>> -> memref<!tpu.dma_semaphore, #tpu.memory_space<semaphore_mem>>
    %dma_wait3A_294 = arith.constant 0 : i32
    %dma_wait3A_295 = arith.constant 0 : i32
    %dma_wait3A_296 = tpu.memref_slice %arg4[%add3A, %dma_wait3A_282, %dma_wait3A_294, %dma_wait3A_295] : memref<32x100x64x128xf32, #tpu.memory_space<hbm>> -> memref<1x1x64x128xf32, #tpu.memory_space<hbm>>
    %dma_wait3A_297 = tpu.memref_squeeze %dma_wait3A_296 : memref<1x1x64x128xf32, #tpu.memory_space<hbm>> -> memref<64x128xf32, #tpu.memory_space<hbm>>
    %dma_wait3A_298 = arith.constant 0 : i32
    %dma_wait3A_299 = arith.constant 0 : i32
    %dma_wait3A_300 = tpu.memref_slice %arg6[%dma_wait3A_281, %dma_wait3A_298, %dma_wait3A_299] : memref<10x64x128xf32, #tpu.memory_space<vmem>> -> memref<1x64x128xf32, #tpu.memory_space<vmem>>
    %dma_wait3A_301 = tpu.memref_squeeze %dma_wait3A_300 : memref<1x64x128xf32, #tpu.memory_space<vmem>> -> memref<64x128xf32, #tpu.memory_space<vmem>>
    tpu.wait_dma2 semaphore(%dma_wait3A_293 : memref<!tpu.dma_semaphore, #tpu.memory_space<semaphore_mem>>) src(%dma_wait3A_301 : memref<64x128xf32, #tpu.memory_space<vmem>>) dst(%dma_wait3A_297 : memref<64x128xf32, #tpu.memory_space<hbm>>)
    %dma_wait3A_302 = arith.constant 7 : i32
    %dma_wait3A_303 = arith.constant 0 : i32
    %dma_wait3A_304 = arith.constant 7 : i32
    %dma_wait3A_305 = arith.constant 0 : i32
    %dma_wait3A_306 = arith.constant 0 : i32
    %dma_wait3A_307 = tpu.memref_slice %arg6[%dma_wait3A_302, %dma_wait3A_305, %dma_wait3A_306] : memref<10x64x128xf32, #tpu.memory_space<vmem>> -> memref<1x64x128xf32, #tpu.memory_space<vmem>>
    %dma_wait3A_308 = tpu.memref_squeeze %dma_wait3A_307 : memref<1x64x128xf32, #tpu.memory_space<vmem>> -> memref<64x128xf32, #tpu.memory_space<vmem>>
    %dma_wait3A_309 = arith.constant 0 : i32
    %dma_wait3A_310 = arith.constant 0 : i32
    %dma_wait3A_311 = tpu.memref_slice %arg4[%add3A, %dma_wait3A_303, %dma_wait3A_309, %dma_wait3A_310] : memref<32x100x64x128xf32, #tpu.memory_space<hbm>> -> memref<1x1x64x128xf32, #tpu.memory_space<hbm>>
    %dma_wait3A_312 = tpu.memref_squeeze %dma_wait3A_311 : memref<1x1x64x128xf32, #tpu.memory_space<hbm>> -> memref<64x128xf32, #tpu.memory_space<hbm>>
    %dma_wait3A_313 = tpu.memref_slice %arg8[%dma_wait3A_304] : memref<10x!tpu.dma_semaphore, #tpu.memory_space<semaphore_mem>> -> memref<1x!tpu.dma_semaphore, #tpu.memory_space<semaphore_mem>>
    %dma_wait3A_314 = tpu.memref_squeeze %dma_wait3A_313 : memref<1x!tpu.dma_semaphore, #tpu.memory_space<semaphore_mem>> -> memref<!tpu.dma_semaphore, #tpu.memory_space<semaphore_mem>>
    %dma_wait3A_315 = arith.constant 0 : i32
    %dma_wait3A_316 = arith.constant 0 : i32
    %dma_wait3A_317 = tpu.memref_slice %arg4[%add3A, %dma_wait3A_303, %dma_wait3A_315, %dma_wait3A_316] : memref<32x100x64x128xf32, #tpu.memory_space<hbm>> -> memref<1x1x64x128xf32, #tpu.memory_space<hbm>>
    %dma_wait3A_318 = tpu.memref_squeeze %dma_wait3A_317 : memref<1x1x64x128xf32, #tpu.memory_space<hbm>> -> memref<64x128xf32, #tpu.memory_space<hbm>>
    %dma_wait3A_319 = arith.constant 0 : i32
    %dma_wait3A_320 = arith.constant 0 : i32
    %dma_wait3A_321 = tpu.memref_slice %arg6[%dma_wait3A_302, %dma_wait3A_319, %dma_wait3A_320] : memref<10x64x128xf32, #tpu.memory_space<vmem>> -> memref<1x64x128xf32, #tpu.memory_space<vmem>>
    %dma_wait3A_322 = tpu.memref_squeeze %dma_wait3A_321 : memref<1x64x128xf32, #tpu.memory_space<vmem>> -> memref<64x128xf32, #tpu.memory_space<vmem>>
    tpu.wait_dma2 semaphore(%dma_wait3A_314 : memref<!tpu.dma_semaphore, #tpu.memory_space<semaphore_mem>>) src(%dma_wait3A_322 : memref<64x128xf32, #tpu.memory_space<vmem>>) dst(%dma_wait3A_318 : memref<64x128xf32, #tpu.memory_space<hbm>>)
    %dma_wait3A_323 = arith.constant 8 : i32
    %dma_wait3A_324 = arith.constant 0 : i32
    %dma_wait3A_325 = arith.constant 8 : i32
    %dma_wait3A_326 = arith.constant 0 : i32
    %dma_wait3A_327 = arith.constant 0 : i32
    %dma_wait3A_328 = tpu.memref_slice %arg6[%dma_wait3A_323, %dma_wait3A_326, %dma_wait3A_327] : memref<10x64x128xf32, #tpu.memory_space<vmem>> -> memref<1x64x128xf32, #tpu.memory_space<vmem>>
    %dma_wait3A_329 = tpu.memref_squeeze %dma_wait3A_328 : memref<1x64x128xf32, #tpu.memory_space<vmem>> -> memref<64x128xf32, #tpu.memory_space<vmem>>
    %dma_wait3A_330 = arith.constant 0 : i32
    %dma_wait3A_331 = arith.constant 0 : i32
    %dma_wait3A_332 = tpu.memref_slice %arg4[%add3A, %dma_wait3A_324, %dma_wait3A_330, %dma_wait3A_331] : memref<32x100x64x128xf32, #tpu.memory_space<hbm>> -> memref<1x1x64x128xf32, #tpu.memory_space<hbm>>
    %dma_wait3A_333 = tpu.memref_squeeze %dma_wait3A_332 : memref<1x1x64x128xf32, #tpu.memory_space<hbm>> -> memref<64x128xf32, #tpu.memory_space<hbm>>
    %dma_wait3A_334 = tpu.memref_slice %arg8[%dma_wait3A_325] : memref<10x!tpu.dma_semaphore, #tpu.memory_space<semaphore_mem>> -> memref<1x!tpu.dma_semaphore, #tpu.memory_space<semaphore_mem>>
    %dma_wait3A_335 = tpu.memref_squeeze %dma_wait3A_334 : memref<1x!tpu.dma_semaphore, #tpu.memory_space<semaphore_mem>> -> memref<!tpu.dma_semaphore, #tpu.memory_space<semaphore_mem>>
    %dma_wait3A_336 = arith.constant 0 : i32
    %dma_wait3A_337 = arith.constant 0 : i32
    %dma_wait3A_338 = tpu.memref_slice %arg4[%add3A, %dma_wait3A_324, %dma_wait3A_336, %dma_wait3A_337] : memref<32x100x64x128xf32, #tpu.memory_space<hbm>> -> memref<1x1x64x128xf32, #tpu.memory_space<hbm>>
    %dma_wait3A_339 = tpu.memref_squeeze %dma_wait3A_338 : memref<1x1x64x128xf32, #tpu.memory_space<hbm>> -> memref<64x128xf32, #tpu.memory_space<hbm>>
    %dma_wait3A_340 = arith.constant 0 : i32
    %dma_wait3A_341 = arith.constant 0 : i32
    %dma_wait3A_342 = tpu.memref_slice %arg6[%dma_wait3A_323, %dma_wait3A_340, %dma_wait3A_341] : memref<10x64x128xf32, #tpu.memory_space<vmem>> -> memref<1x64x128xf32, #tpu.memory_space<vmem>>
    %dma_wait3A_343 = tpu.memref_squeeze %dma_wait3A_342 : memref<1x64x128xf32, #tpu.memory_space<vmem>> -> memref<64x128xf32, #tpu.memory_space<vmem>>
    tpu.wait_dma2 semaphore(%dma_wait3A_335 : memref<!tpu.dma_semaphore, #tpu.memory_space<semaphore_mem>>) src(%dma_wait3A_343 : memref<64x128xf32, #tpu.memory_space<vmem>>) dst(%dma_wait3A_339 : memref<64x128xf32, #tpu.memory_space<hbm>>)
    %dma_wait3A_344 = arith.constant 9 : i32
    %dma_wait3A_345 = arith.constant 0 : i32
    %dma_wait3A_346 = arith.constant 9 : i32
    %dma_wait3A_347 = arith.constant 0 : i32
    %dma_wait3A_348 = arith.constant 0 : i32
    %dma_wait3A_349 = tpu.memref_slice %arg6[%dma_wait3A_344, %dma_wait3A_347, %dma_wait3A_348] : memref<10x64x128xf32, #tpu.memory_space<vmem>> -> memref<1x64x128xf32, #tpu.memory_space<vmem>>
    %dma_wait3A_350 = tpu.memref_squeeze %dma_wait3A_349 : memref<1x64x128xf32, #tpu.memory_space<vmem>> -> memref<64x128xf32, #tpu.memory_space<vmem>>
    %dma_wait3A_351 = arith.constant 0 : i32
    %dma_wait3A_352 = arith.constant 0 : i32
    %dma_wait3A_353 = tpu.memref_slice %arg4[%add3A, %dma_wait3A_345, %dma_wait3A_351, %dma_wait3A_352] : memref<32x100x64x128xf32, #tpu.memory_space<hbm>> -> memref<1x1x64x128xf32, #tpu.memory_space<hbm>>
    %dma_wait3A_354 = tpu.memref_squeeze %dma_wait3A_353 : memref<1x1x64x128xf32, #tpu.memory_space<hbm>> -> memref<64x128xf32, #tpu.memory_space<hbm>>
    %dma_wait3A_355 = tpu.memref_slice %arg8[%dma_wait3A_346] : memref<10x!tpu.dma_semaphore, #tpu.memory_space<semaphore_mem>> -> memref<1x!tpu.dma_semaphore, #tpu.memory_space<semaphore_mem>>
    %dma_wait3A_356 = tpu.memref_squeeze %dma_wait3A_355 : memref<1x!tpu.dma_semaphore, #tpu.memory_space<semaphore_mem>> -> memref<!tpu.dma_semaphore, #tpu.memory_space<semaphore_mem>>
    %dma_wait3A_357 = arith.constant 0 : i32
    %dma_wait3A_358 = arith.constant 0 : i32
    %dma_wait3A_359 = tpu.memref_slice %arg4[%add3A, %dma_wait3A_345, %dma_wait3A_357, %dma_wait3A_358] : memref<32x100x64x128xf32, #tpu.memory_space<hbm>> -> memref<1x1x64x128xf32, #tpu.memory_space<hbm>>
    %dma_wait3A_360 = tpu.memref_squeeze %dma_wait3A_359 : memref<1x1x64x128xf32, #tpu.memory_space<hbm>> -> memref<64x128xf32, #tpu.memory_space<hbm>>
    %dma_wait3A_361 = arith.constant 0 : i32
    %dma_wait3A_362 = arith.constant 0 : i32
    %dma_wait3A_363 = tpu.memref_slice %arg6[%dma_wait3A_344, %dma_wait3A_361, %dma_wait3A_362] : memref<10x64x128xf32, #tpu.memory_space<vmem>> -> memref<1x64x128xf32, #tpu.memory_space<vmem>>
    %dma_wait3A_364 = tpu.memref_squeeze %dma_wait3A_363 : memref<1x64x128xf32, #tpu.memory_space<vmem>> -> memref<64x128xf32, #tpu.memory_space<vmem>>
    tpu.wait_dma2 semaphore(%dma_wait3A_356 : memref<!tpu.dma_semaphore, #tpu.memory_space<semaphore_mem>>) src(%dma_wait3A_364 : memref<64x128xf32, #tpu.memory_space<vmem>>) dst(%dma_wait3A_360 : memref<64x128xf32, #tpu.memory_space<hbm>>)
    return
  }
}

</mosaic_0001>

<sc_bundles>
// kernel: kernel.3.cloned.1.call-start
scs
__scs_entry_jumppad:
0x0: {  	(pc) =	sbr.rel $0x88, $3  }
0x1: {  	(tag) =	ssettag $0x0;
	lr =	simm.s32 $0x1  }
0x2: {  	[smem:$0x3F9F] =	sst lr;
	_ =	strace $0xD0000000  }
0x3: {  	_ = 	snop  }
0x4: {  	_ = 	snop  }
0x5: {  	_ = 	snop  }
0x6: {  	_ = 	snop  }
0x7: {  	_ = 	snop  }
__scs_overlays_trampoline_lowered:
0x8: {  	[smem:$0x3FAE] =	sst s0  }
0x9: {  	[smem:$0x3FAF] =	sst s1  }
0xa: {  	[smem:$0x3FB0] =	sst s2  }
0xb: {  	[smem:$0x3FB1] =	sst s3  }
0xc: {  	[smem:$0x3FB2] =	sst s4  }
0xd: {  	[smem:$0x3FB3] =	sst s5  }
0xe: {  	[smem:$0x3FB4] =	sst s6  }
0xf: {  	[smem:$0x3FB5] =	sst s7  }
0x10: {  	[smem:$0x3FB6] =	sst s8  }
0x11: {  	[smem:$0x3FB7] =	sst s9;
	s0 =	simm.s32 @!p0 $0x0  }
0x12: {  	s1 =	sld [smem:$0x3F9D];
	s0 =	simm.s32 @p0 $0x1  }
0x13: {  	[smem:$0x3FB8] =	sst s0;
	s0 =	simm.s32 @!p1 $0x0  }
0x14: {  	s2 =	sld [smem:$0x3F9C];
	s0 =	simm.s32 @p1 $0x1  }
0x15: {  	[smem:$0x3FB9] =	sst s0;
	s0 =	simm.s32 @!p2 $0x0  }
0x16: {  	s3 =	sld [smem:$0x3FDB];
	s0 =	simm.s32 @p2 $0x1  }
0x17: {  	s4 =	simm.s32 $0x1BF5;
	[smem:$0x3FBB] =	sst s0  }
0x18: {  	s0 =	sld [smem:$0x3F9E];
	_ =	swait.ge [sflag:s4], $0x0  }
0x19: {  	s7 =	sld [smem:$0x3F9F]  }
0x1a: {  	s8 =	sadd.s32 $0xFFFFE003, lr  }
0x1b: {  	s9 =	sadd.s32 $0xFFFFFEF7, lr;
	s5 =	simm.s32 $0xFFFFFFFF;
	p2 =	slt.u32 s8, $0xFFFFF086  }
0x1c: {  	p1 =	slt.u32 s9, $0xF7A;
	s5 =	simm.s32 @!p2 $0x0  }
0x1d: {  	s5 =	simm.s32 @p1 $0x1;
	p0 =	seq.s32 s7, s2  }
0x1e: {  	s7 =	smul.u32 @!p0 $0xF7A, s2;
	p2 =	seq.s32 @!p0 s5, $0x0  }
0x1f: {  	s9 =	smul.u32 $0xF7A, s1;
	s8 =	simm.s32 @!p0 $0x1BF5;
	p2 =	por !p2, p0  }
0x20: {  	[sflag:s8] =	ssyncset.s32 @!p0 $0xFFFFF086;
	s6 =	sadd.s32 @!p0 s3, s7;
	s7 =	simm.s32 @!p0 $0x108  }
0x21: {  	s3 =	sadd.s32 s3, s9;
	s6 =	sadd.s32 @!p0 $0x88, s6;
	s7 =	simm.s32 @p2 $0x1082  }
0x22: {  	[simem:s7], [sflag:s8] =	dma.local @!p0 [hbm:s6], $0xF7A  }
0x23: {  	s9 =	sor.u32 $0xD0000000, s2;
	s6 =	simm.s32 $0x108;
	_ =	swait.ge @!p0 [sflag:s8], $0x0  }
0x24: {  	s3 =	sadd.s32 $0x88, s3;
	s6 =	simm.s32 @!p1 $0x1082;
	[sflag:s4] =	ssyncset.s32 $0xFFFFF086  }
0x25: {  	[simem:s6], [sflag:s4] =	dma.local [hbm:s3], $0xF7A  }
0x26: {  	[smem:$0x3F9F] =	sst s1;
	(tag) =	ssettag s2;
	_ =	strace s9  }
0x27: {  	s1 =	sld [smem:$0x3FAF]  }
0x28: {  	s2 =	sld [smem:$0x3FB0]  }
0x29: {  	s4 =	sld [smem:$0x3FB2]  }
0x2a: {  	p0 =	seq.s32 s5, $0x0;
	s5 =	sld [smem:$0x3FB3]  }
0x2b: {  	s6 =	sld [smem:$0x3FB4]  }
0x2c: {  	s7 =	sld [smem:$0x3FB5]  }
0x2d: {  	s3 =	simm.s32 $0x108;
	s8 =	sld [smem:$0x3FB6]  }
0x2e: {  	s3 =	simm.s32 @!p0 $0x1082;
	s9 =	sld [smem:$0x3FB7]  }
0x2f: {  	lr =	sadd.s32 s0, s3;
	s0 =	sld [smem:$0x3FAE]  }
0x30: {  	s3 =	sld [smem:$0x3FB1]  }
0x31: {  	[smem:$0x3FBA] =	sst s10  }
0x32: {  	s10 =	sld [smem:$0x3FB8];
	_ =	sdelay $0x3  }
0x33: {  	p0 =	seq.s32 s10, $0x1;
	s10 =	sld [smem:$0x3FBA];
	_ =	sdelay $0x3  }
0x34: {  	[smem:$0x3FBA] =	sst s10  }
0x35: {  	s10 =	sld [smem:$0x3FB9];
	_ =	sdelay $0x3  }
0x36: {  	p1 =	seq.s32 s10, $0x1;
	s10 =	sld [smem:$0x3FBA];
	_ =	sdelay $0x3  }
0x37: {  	[smem:$0x3FBA] =	sst s10  }
0x38: {  	s10 =	sld [smem:$0x3FBB]  }
0x39: {  	_ = 	snop;
	(pc) =	sbr.ind lr, $3  }
0x3a: {  	_ = 	snop  }
0x3b: {  	_ = 	snop  }
0x3c: {  	p2 =	seq.s32 s10, $0x1;
	s10 =	sld [smem:$0x3FBA]  }
0x3d: {  	_ =	shalt  }
0x3e: {  	_ =	shalt  }
0x3f: {  	_ =	shalt  }
0x40: {  	_ =	shalt  }
0x41: {  	_ =	shalt  }
0x42: {  	_ =	shalt  }
0x43: {  	_ =	shalt  }
0x44: {  	_ =	shalt  }
0x45: {  	_ =	shalt  }
0x46: {  	_ =	shalt  }
0x47: {  	_ =	shalt  }
0x48: {  	_ =	shalt  }
0x49: {  	_ =	shalt  }
0x4a: {  	_ =	shalt  }
0x4b: {  	_ =	shalt  }
0x4c: {  	_ =	shalt  }
0x4d: {  	_ =	shalt  }
0x4e: {  	_ =	shalt  }
0x4f: {  	_ =	shalt  }
0x50: {  	_ =	shalt  }
0x51: {  	_ =	shalt  }
0x52: {  	_ =	shalt  }
0x53: {  	_ =	shalt  }
0x54: {  	_ =	shalt  }
0x55: {  	_ =	shalt  }
0x56: {  	_ =	shalt  }
0x57: {  	_ =	shalt  }
0x58: {  	_ =	shalt  }
0x59: {  	_ =	shalt  }
0x5a: {  	_ =	shalt  }
0x5b: {  	_ =	shalt  }
0x5c: {  	_ =	shalt  }
0x5d: {  	_ =	shalt  }
0x5e: {  	_ =	shalt  }
0x5f: {  	_ =	shalt  }
0x60: {  	_ =	shalt  }
0x61: {  	_ =	shalt  }
0x62: {  	_ =	shalt  }
0x63: {  	_ =	shalt  }
0x64: {  	_ =	shalt  }
0x65: {  	_ =	shalt  }
0x66: {  	_ =	shalt  }
0x67: {  	_ =	shalt  }
0x68: {  	_ =	shalt  }
0x69: {  	_ =	shalt  }
0x6a: {  	_ =	shalt  }
0x6b: {  	_ =	shalt  }
0x6c: {  	_ =	shalt  }
0x6d: {  	_ =	shalt  }
0x6e: {  	_ =	shalt  }
0x6f: {  	_ =	shalt  }
0x70: {  	_ =	shalt  }
0x71: {  	_ =	shalt  }
0x72: {  	_ =	shalt  }
0x73: {  	_ =	shalt  }
0x74: {  	_ =	shalt  }
0x75: {  	_ =	shalt  }
0x76: {  	_ =	shalt  }
0x77: {  	_ =	shalt  }
0x78: {  	_ =	shalt  }
0x79: {  	_ =	shalt  }
0x7a: {  	_ =	shalt  }
0x7b: {  	_ =	shalt  }
0x7c: {  	_ =	shalt  }
0x7d: {  	_ =	shalt  }
0x7e: {  	_ =	shalt  }
0x7f: {  	_ =	shalt  }
0x80: {  	_ =	shalt  }
0x81: {  	_ =	shalt  }
0x82: {  	_ =	shalt  }
0x83: {  	_ =	shalt  }
0x84: {  	_ =	shalt  }
0x85: {  	_ =	shalt  }
0x86: {  	_ =	shalt  }
0x87: {  	_ =	shalt  }
.Lfunc_end0:
.L_simem_size_0:
called_computation_lowered:
.L_overlay_start_0:
0x88: {  	s2 =	sld [smem:$0x3FD9]  }
0x89: {  	s3 =	sld [smem:$0x3FFE];
	_ =	sdelay $0x1  }
0x8a: {  	s1 =	srdreg.scid  }
0x8b: {  	s0 =	sand.u32 $0x1, s1  }
0x8c: {  	s14 =	sshll.u32 s0, $0xA;
	s2 =	sadd.s32 s3, s2  }
0x8d: {  	s2 =	sadd.s32 s2, s14  }
0x8e: {  	[smem:$0x3FC6] =	sst s2  }
0x8f: {  	_ = 	snop  }
0x90: {  	s2 =	sld [smem:$0x3FD0];
	_ =	sdelay $0x2  }
0x91: {  	s4 =	simm.s32 $0xA;
	s5 =	simm.s32 $0x10;
	s15 =	sld [smem:$0x3FC8]  }
0x92: {  	[smem:s5], [sflag:s4] =	dma.local [hbm:s2], $0x1  }
0x93: {  	_ =	swait.eq [sflag:s4], $0x1  }
0x94: {  	[sflag:s4] =	ssyncset.done $0x0  }
0x95: {  	[sflag:s4] =	ssyncadd.s32 $0xFFFFFFFF  }
0x96: {  	s16 =	sld [smem:$0x10];
	(tm) =	ssettm $0x1  }
0x97: {  	s17 =	sld [smem:$0x3FFB];
	_ =	sdelay $0x3  }
0x98: {  	_ =	strace s17  }
0x99: {  	s4 =	sld [smem:$0x3FFC];
	_ =	sdelay $0x3  }
0x9a: {  	_ =	strace s4  }
0x9b: {  	s4 =	sld [smem:$0x3FFD];
	_ =	sdelay $0x3  }
0x9c: {  	_ =	strace s4  }
0x9d: {  	_ =	strace $0x8FFFFFFF  }
0x9e: {  	s18 =	sld [smem:$0x3FDB];
	_ =	sdelay $0x1  }
0x9f: {  	s19 =	simm.s32 $_scs_section_size  }
0xa0: {  	s6 =	simm.s32 $_size__tile_overlayer_lowered;
	s7 =	simm.s32 $_tile_overlayer_lowered  }
0xa1: {  	s22 =	simm.s32 $0x1BFF;
	s21 =	sshll.u32 s7, $0x1;
	s4 =	sadd.s32 s19, s18  }
0xa2: {  	s8 =	simm.s32 $0x0;
	s20 =	sshll.u32 s6, $0x1;
	s6 =	sadd.s32 s21, s4  }
0xa3: {  	[timem:s8], [sflag:s22] =	dma.local [hbm:s6], s20  }
0xa4: {  	_ =	swait.ge [sflag:s22], s20  }
0xa5: {  	s5 =	ssub.s32 $0x0, s20;
	[sflag:s22] =	ssyncset.done $0x0  }
0xa6: {  	[sflag:s22] =	ssyncadd.s32 s5;
	_ =	sdelay $0x1  }
0xa7: {  	s23 =	simm.s32 $0x1B8B  }
0xa8: {  	_ =	swait.ge [sflag:s23], $0x1  }
0xa9: {  	[sflag:s23] =	ssyncset.done $0x0  }
0xaa: {  	s25 =	simm.s32 $0x1B8E;
	s24 =	sld [smem:$0x3FFE];
	[sflag:s23] =	ssyncadd.s32 $0xFFFFFFFF  }
0xab: {  	s26 =	simm.s32 $execute0_lowered;
	[smem:$0x3FD2] =	sst s25  }
0xac: {  	s6 =	sshll.u32 s26, $0x1;
	_ =	strace $0x80000046;
	[dreg:$0x1] =	wrdreg $0xFFFFFFFF  }
0xad: {  	s28 =	simm.s32 $_size_execute0_lowered;
	s4 =	sadd.s32 s4, s6;
	[dreg:$0x0] =	wrdreg $0x0  }
0xae: {  	s6 =	sshll.u32 s28, $0x1;
	[dreg:$0x2] =	wrdreg s4  }
0xaf: {  	[dreg:$0x3] =	wrdreg s6  }
0xb0: {  	[dreg:$0x4] =	wrdreg $0xC0  }
0xb1: {  	_ =	task [dreg:s8], $0x5FFFF  }
0xb2: {  	[dreg:$0x1] =	wrdreg $0xFFFFFFFF  }
0xb3: {  	[dreg:$0x0] =	wrdreg $0x60  }
0xb4: {  	[dreg:$0x2] =	wrdreg s24  }
0xb5: {  	[dreg:$0x3] =	wrdreg s15  }
0xb6: {  	[dreg:$0x4] =	wrdreg s16  }
0xb7: {  	[dreg:$0x5] =	wrdreg $0x9  }
0xb8: {  	_ =	task.clear_ibuf [dreg:s8], $0x6FFFF;
	_ =	strace $0x90000046  }
0xb9: {  	s29 =	simm.s32 $0x9;
	_ =	strace $0x80000048  }
0xba: {  	_ =	swait.ge [sflag:s29], $0x1  }
0xbb: {  	[sflag:s29] =	ssyncadd.s32 $0xFFFFFFFF  }
0xbc: {  	_ =	strace $0x90000048  }
0xbd: {  	_ =	sfence  }
0xbe: {  	s30 =	sld [smem:$0x0];
	_ =	sdelay $0x2  }
0xbf: {  	s31 =	sshll.u32 s1, $0xD;
	s1 =	sshrl.u32 s1, $0x2  }
0xc0: {  	s3 =	sand.u32 $0x4000, s31;
	s1 =	sadd.s32 s1, s30  }
0xc1: {  	s0 =	sor.u32 s3, s0;
	s1 =	sshll.u32 s1, $0x11  }
0xc2: {  	s0 =	sor.u32 s1, s0  }
0xc3: {  	s0 =	sadd.s32 $0x8F2B, s0  }
0xc4: {  	[sflag:s0] =	ssyncadd.remote.s32 $0x1  }
0xc5: {  	_ =	sfence.sel $0xFFFF  }
0xc6: {  	[dreg:$0x0] =	wrdreg $0xFFFFFFFF;
	(pc) =	sbr.abs _section_cstart, $3  }
0xc7: {  	[dreg:$0x1] =	wrdreg $0xFFFFFFFF  }
0xc8: {  	_ =	task.clear_ibuf [dreg:s8], $0x2FFFF;
	_ =	strace $0x9FFFFFFF  }
0xc9: {  	(tm) =	ssettm $0x7FFFFFFF  }
tec
execute0_lowered:
.L_overlay_start_1:
0x0: {  	(tag) =	ssettag $0x1  }
0x1: {  	s0 =	rddreg [dreg:$0x0]  }
0x2: {  	s2 =	rddreg [dreg:$0x1];
	s1 =	srdreg.scid  }
0x3: {  	s6 =	stileid.u32;
	s8 =	rddreg [dreg:$0x2]  }
0x4: {  	s1 =	sand.u32 $0x1, s1;
	s3 =	sshll.u32 s6, $0x1;
	s6 =	smul.u32 $0x190000, s6  }
0x5: {  	s3 =	sor.u32 s1, s3;
	s16 =	ssub.s32 $0x2, s1;
	s1 =	smul.u32 $0xC8000, s1  }
0x6: {  	s4 =	simm.s32 $0x0;
	s28 =	simm.s32 $0x2;
	s5 =	smul.u32 $0x680, s3  }
0x7: {  	s31 =	simm.s32 $0x4;
	[smem:$0x7FF] =	sst s4;
	s3 =	smul.u32 $0xC8000, s3  }
0x8: {  	_ =	strace $0x80000047;
	s7 =	sshrl.u32 s16, $0x1;
	s1 =	sadd.s32 s1, s6  }
0x9: {  	s6 =	simm.s32 $0xA;
	s0 =	sadd.s32 s5, s0;
	s3 =	sshrl.u32 s3, $0x3  }
0xa: {  	s5 =	ssub.s32 s16, s7;
	s20 =	sadd.s32 $0x10000, s1;
	s21 =	sadd.s32 $0xE000, s1  }
0xb: {  	s22 =	sadd.s32 $0xC000, s1;
	s23 =	sadd.s32 $0xA000, s1;
	s24 =	sadd.s32 $0x8000, s1  }
0xc: {  	s25 =	sor.u32 $0x6000, s1;
	s26 =	sor.u32 $0x4000, s1;
	s29 =	sor.u32 $0x2000, s1  }
0xd: {  	s30 =	sadd.s32 $0x12000, s1;
	s7 =	simm.s32 $0x0;
	s0 =	sadd.s32 $0x400, s0  }
0xe: {  	s17 =	sadd.s32 s8, s3;
	s18 =	smax.u32 s5, $0x1;
	s11 =	sshrl.u32 s20, $0x3  }
0xf: {  	s12 =	sshrl.u32 s21, $0x3;
	s13 =	sshrl.u32 s22, $0x3;
	s14 =	sshrl.u32 s23, $0x3  }
0x10: {  	s15 =	sshrl.u32 s24, $0x3;
	s16 =	sshrl.u32 s25, $0x3;
	s20 =	sshrl.u32 s30, $0x3  }
.Ltmp0:
0x11: {  	s5 =	simm.s32 $0x8;
	[dreg:$0x4] =	wrdreg s0;
	(pc) =	sbr.rel .LBB2_1-.Ltmp0, $4  }
0x12: {  	s21 =	simm.s32 $0x13;
	[dreg:$0x5] =	wrdreg s18;
	s19 =	sadd.s32 $0x17000, s17  }
0x13: {  	s8 =	sadd.s32 $0x17800, s17;
	s9 =	sadd.s32 $0x18000, s17;
	s10 =	sadd.s32 $0x18800, s17  }
0x14: {  	s17 =	sshrl.u32 s26, $0x3;
	s18 =	sshrl.u32 s29, $0x3;
	s26 =	simm.s32 $0x1  }
0x15: {  	s0 =	simm.s32 $0x6;
	[dreg:$0x6] =	wrdreg s19;
	s19 =	sshrl.u32 s1, $0x3  }
.LBB2_4:
0x16: {  	s1 =	simm.s32 $0xB  }
0x17: {  	_ =	swait.ge [sflag:s1], $0x2000  }
0x18: {  	[sflag:s1] =	ssyncset.done $0x0  }
0x19: {  	s3 =	simm.s32 $0xC;
	[sflag:s1] =	ssyncadd.s32 $0xFFFFE000  }
0x1a: {  	_ =	swait.ge [sflag:s3], $0x2000  }
0x1b: {  	[sflag:s3] =	ssyncset.done $0x0  }
0x1c: {  	s7 =	simm.s32 $0xD;
	[sflag:s3] =	ssyncadd.s32 $0xFFFFE000  }
0x1d: {  	_ =	swait.ge [sflag:s7], $0x2000  }
0x1e: {  	[sflag:s7] =	ssyncset.done $0x0  }
0x1f: {  	s22 =	simm.s32 $0xE;
	[sflag:s7] =	ssyncadd.s32 $0xFFFFE000  }
0x20: {  	_ =	swait.ge [sflag:s22], $0x2000  }
0x21: {  	[sflag:s22] =	ssyncset.done $0x0  }
0x22: {  	s23 =	simm.s32 $0xF;
	[sflag:s22] =	ssyncadd.s32 $0xFFFFE000  }
0x23: {  	_ =	swait.ge [sflag:s23], $0x2000  }
0x24: {  	[sflag:s23] =	ssyncset.done $0x0  }
0x25: {  	s24 =	simm.s32 $0x10;
	[sflag:s23] =	ssyncadd.s32 $0xFFFFE000  }
0x26: {  	_ =	swait.ge [sflag:s24], $0x2000  }
0x27: {  	[sflag:s24] =	ssyncset.done $0x0  }
0x28: {  	s25 =	simm.s32 $0x11;
	[sflag:s24] =	ssyncadd.s32 $0xFFFFE000  }
0x29: {  	_ =	swait.ge [sflag:s25], $0x2000  }
0x2a: {  	[sflag:s25] =	ssyncset.done $0x0  }
0x2b: {  	s29 =	simm.s32 $0x12;
	[sflag:s25] =	ssyncadd.s32 $0xFFFFE000  }
0x2c: {  	_ =	swait.ge [sflag:s29], $0x2000  }
0x2d: {  	[sflag:s29] =	ssyncset.done $0x0  }
0x2e: {  	[sflag:s29] =	ssyncadd.s32 $0xFFFFE000  }
0x2f: {  	_ =	swait.ge [sflag:s21], $0x2000  }
0x30: {  	[sflag:s21] =	ssyncset.done $0x0  }
0x31: {  	s3 =	simm.s32 $0x14;
	[sflag:s21] =	ssyncadd.s32 $0xFFFFE000  }
0x32: {  	_ =	swait.ge [sflag:s3], $0x2000  }
0x33: {  	s7 =	rddreg [dreg:$0x7]  }
0x34: {  	s30 =	rddreg [dreg:$0x5];
	s7 =	sadd.s32 $0x1, s7  }
0x35: {  	p0 =	sne.s32 s7, s30  }
.Ltmp1:
0x36: {  	_ = 	snop;
	(pc) =	sbr.rel @!p0 .LBB2_5-.Ltmp1, $3  }
0x37: {  	_ =	sdelay $0x1  }
0x38: {  	[sflag:s3] =	ssyncset.done $0x0  }
0x39: {  	[sflag:s3] =	ssyncadd.s32 $0xFFFFE000  }
.LBB2_1:
0x3a: {  	[dreg:$0x7] =	wrdreg s7  }
0x3b: {  	s1 =	rddreg [dreg:$0x4];
	s7 =	simm.s32 $0x15  }
0x3c: {  	[tilespmem:s4], [sflag:$0x15] =	stream.linear.gather [hbm4b:s1+s4], $0x3200, $0x38;
	[tilespmem:$0x17400] =	vst v63  }
0x3d: {  	_ =	swait.ge [sflag:s7], $0x3200  }
0x3e: {  	[sflag:s7] =	ssyncset.done $0x0  }
0x3f: {  	s3 =	simm.s32 $0x3400;
	s1 =	simm.s32 $0x40;
	[sflag:s7] =	ssyncadd.s32 $0xFFFFCE00  }
0x40: {  	[tilespmem:s3], [sflag:$0x1] =	stream.indirect.gather [hbm4b:s2+s1], $0x80, s4, s1, $0xb8;
	[tilespmem:$0x17400] =	vst v63  }
0x41: {  	s22 =	simm.s32 $0x80;
	s23 =	simm.s32 $0x5400  }
0x42: {  	[tilespmem:s23], [sflag:$0x2] =	stream.indirect.gather [hbm4b:s2+s1], $0x80, s22, s1, $0xb8;
	[tilespmem:$0x17400] =	vst v63  }
0x43: {  	s24 =	simm.s32 $0x100;
	s25 =	simm.s32 $0x7400  }
0x44: {  	[tilespmem:s25], [sflag:$0x3] =	stream.indirect.gather [hbm4b:s2+s1], $0x80, s24, s1, $0xb8;
	[tilespmem:$0x17400] =	vst v63  }
0x45: {  	s29 =	simm.s32 $0x180;
	s30 =	simm.s32 $0x9400  }
0x46: {  	[tilespmem:s30], [sflag:$0x4] =	stream.indirect.gather [hbm4b:s2+s1], $0x80, s29, s1, $0xb8;
	[tilespmem:$0x17400] =	vst v63  }
0x47: {  	s22 =	simm.s32 $0x200;
	s23 =	simm.s32 $0xB400  }
0x48: {  	[tilespmem:s23], [sflag:$0x5] =	stream.indirect.gather [hbm4b:s2+s1], $0x80, s22, s1, $0xb8;
	[tilespmem:$0x17400] =	vst v63  }
0x49: {  	s24 =	simm.s32 $0x280;
	s25 =	simm.s32 $0xD400  }
0x4a: {  	[tilespmem:s25], [sflag:$0x6] =	stream.indirect.gather [hbm4b:s2+s1], $0x80, s24, s1, $0xb8;
	[tilespmem:$0x17400] =	vst v63  }
0x4b: {  	s29 =	simm.s32 $0x300;
	s30 =	simm.s32 $0xF400  }
0x4c: {  	[tilespmem:s30], [sflag:$0x7] =	stream.indirect.gather [hbm4b:s2+s1], $0x80, s29, s1, $0xb8;
	[tilespmem:$0x17400] =	vst v63  }
0x4d: {  	s22 =	simm.s32 $0x380;
	s23 =	simm.s32 $0x11400  }
0x4e: {  	[tilespmem:s23], [sflag:$0x8] =	stream.indirect.gather [hbm4b:s2+s1], $0x80, s22, s1, $0xb8;
	[tilespmem:$0x17400] =	vst v63  }
0x4f: {  	s24 =	simm.s32 $0x400;
	s25 =	simm.s32 $0x13400;
	s29 =	simm.s32 $0x480  }
0x50: {  	[tilespmem:s25], [sflag:$0x9] =	stream.indirect.gather [hbm4b:s2+s1], $0x80, s24, s1, $0xb8;
	[tilespmem:$0x17400] =	vst v63  }
0x51: {  	s30 =	simm.s32 $0x15400;
	s23 =	rddreg [dreg:$0x2];
	s25 =	simm.s32 $0x0  }
0x52: {  	[tilespmem:s30], [sflag:$0xA] =	stream.indirect.gather [hbm4b:s2+s1], $0x80, s29, s1, $0xb8;
	[tilespmem:$0x17400] =	vst v63  }
.LBB2_2:
0x53: {  	_ =	swait.ge [sflag:s26], $0x2000  }
0x54: {  	s1 =	sadd.s32 s23, s19;
	[sflag:s26] =	ssyncset.done $0x0  }
0x55: {  	s3 =	simm.s32 $0x3400;
	p0 =	seq.s32 s25, $0x0;
	[sflag:s26] =	ssyncadd.s32 $0xFFFFE000  }
0x56: {  	[hbm4b:s1+s4] =	stream.linear.scatter [tilespmem:s3], [sflag:$0xB], $0x2000, $0x38;
	[tilespmem:$0x17400] =	vst v63  }
0x57: {  	s1 =	simm.s32 @!p0 $0x14  }
0x58: {  	_ =	swait.ge @!p0 [sflag:s1], $0x2000  }
0x59: {  	[sflag:s1] =	ssyncset.done @!p0 $0x0  }
0x5a: {  	[sflag:s1] =	ssyncadd.s32 @!p0 $0xFFFFE000;
	s1 =	sshra.s32 @!p0 s25, $0x2  }
0x5b: {  	s29 =	simm.s32 @!p0 $0x15400;
	s3 =	simm.s32 @!p0 $0x40;
	s1 =	sadd.s32 @!p0 $0x480, s1  }
0x5c: {  	[tilespmem:s29], [sflag:$0xA] =	stream.indirect.gather @!p0 [hbm4b:s2+s3], $0x80, s1, s3, $0xb8;
	[tilespmem:$0x17400] =	vst v63  }
0x5d: {  	_ =	swait.ge [sflag:s28], $0x2000  }
0x5e: {  	s22 =	sadd.s32 s23, s18;
	p0 =	seq.s32 s25, $0xB400;
	[sflag:s28] =	ssyncset.done $0x0  }
0x5f: {  	s24 =	simm.s32 $0x5400;
	s1 =	simm.s32 @p0 $0x3;
	[sflag:s28] =	ssyncadd.s32 $0xFFFFE000  }
0x60: {  	[hbm4b:s22+s4] =	stream.linear.scatter [tilespmem:s24], [sflag:$0xC], $0x2000, $0x38;
	[tilespmem:$0x17400] =	vst v63  }
0x61: {  	_ =	swait.ge @p0 [sflag:s1], $0x2000  }
0x62: {  	s3 =	simm.s32 @p0 $0x0;
	[sflag:s1] =	ssyncset.done @p0 $0x0  }
0x63: {  	s7 =	rddreg [dreg:$0x6];
	[sflag:s1] =	ssyncadd.s32 @p0 $0xFFFFE000;
	s1 =	simm.s32 @p0 $0x7400  }
0x64: {  	[hbm4b:s7+s3] =	stream.linear.scatter @p0 [tilespmem:s1], [sflag:$0xD], $0x2000, $0x38;
	[tilespmem:$0x17400] =	vst v63  }
0x65: {  	s1 =	simm.s32 @!p0 $0xB  }
0x66: {  	s30 =	sshra.s32 @!p0 s25, $0x2;
	_ =	swait.ge @!p0 [sflag:s1], $0x2000  }
0x67: {  	s29 =	sadd.s32 @!p0 $0x500, s30;
	[sflag:s1] =	ssyncset.done @!p0 $0x0  }
0x68: {  	s24 =	simm.s32 @!p0 $0x3400;
	[sflag:s1] =	ssyncadd.s32 @!p0 $0xFFFFE000;
	s1 =	simm.s32 @!p0 $0x40  }
0x69: {  	[tilespmem:s24], [sflag:$0x1] =	stream.indirect.gather @!p0 [hbm4b:s2+s1], $0x80, s29, s1, $0xb8;
	[tilespmem:$0x17400] =	vst v63  }
0x6a: {  	s24 =	simm.s32 @!p0 $0x3  }
0x6b: {  	_ =	swait.ge @!p0 [sflag:s24], $0x2000  }
0x6c: {  	s22 =	simm.s32 @!p0 $0x7400;
	[sflag:s24] =	ssyncset.done @!p0 $0x0  }
0x6d: {  	s29 =	simm.s32 @!p0 $0x0;
	[sflag:s24] =	ssyncadd.s32 @!p0 $0xFFFFE000;
	s24 =	sadd.s32 @!p0 s23, s17  }
0x6e: {  	[hbm4b:s24+s29] =	stream.linear.scatter @!p0 [tilespmem:s22], [sflag:$0xD], $0x2000, $0x38;
	[tilespmem:$0x17400] =	vst v63  }
0x6f: {  	s24 =	simm.s32 @!p0 $0xC  }
0x70: {  	_ =	swait.ge @!p0 [sflag:s24], $0x2000  }
0x71: {  	[sflag:s24] =	ssyncset.done @!p0 $0x0  }
0x72: {  	s7 =	simm.s32 @!p0 $0x5400;
	[sflag:s24] =	ssyncadd.s32 @!p0 $0xFFFFE000;
	s24 =	sadd.s32 @!p0 $0x580, s30  }
0x73: {  	[tilespmem:s7], [sflag:$0x2] =	stream.indirect.gather @!p0 [hbm4b:s2+s1], $0x80, s24, s1, $0xb8;
	[tilespmem:$0x17400] =	vst v63  }
0x74: {  	_ =	swait.ge [sflag:s31], $0x2000  }
0x75: {  	[sflag:s31] =	ssyncset.done $0x0  }
0x76: {  	s7 =	sadd.s32 s23, s16;
	s24 =	simm.s32 $0x9400;
	[sflag:s31] =	ssyncadd.s32 $0xFFFFE000  }
0x77: {  	[hbm4b:s7+s4] =	stream.linear.scatter [tilespmem:s24], [sflag:$0xE], $0x2000, $0x38;
	[tilespmem:$0x17400] =	vst v63  }
0x78: {  	s7 =	simm.s32 @p0 $0x5  }
0x79: {  	_ =	swait.ge @p0 [sflag:s7], $0x2000  }
0x7a: {  	[sflag:s7] =	ssyncset.done @p0 $0x0  }
0x7b: {  	[sflag:s7] =	ssyncadd.s32 @p0 $0xFFFFE000;
	s7 =	simm.s32 @p0 $0xB400  }
0x7c: {  	[hbm4b:s8+s3] =	stream.linear.scatter @p0 [tilespmem:s7], [sflag:$0xF], $0x2000, $0x38;
	[tilespmem:$0x17400] =	vst v63  }
0x7d: {  	s7 =	simm.s32 @!p0 $0xD  }
0x7e: {  	_ =	swait.ge @!p0 [sflag:s7], $0x2000  }
0x7f: {  	[sflag:s7] =	ssyncset.done @!p0 $0x0  }
0x80: {  	[sflag:s7] =	ssyncadd.s32 @!p0 $0xFFFFE000;
	s7 =	sadd.s32 @!p0 $0x600, s30  }
0x81: {  	[tilespmem:s22], [sflag:$0x3] =	stream.indirect.gather @!p0 [hbm4b:s2+s1], $0x80, s7, s1, $0xb8;
	[tilespmem:$0x17400] =	vst v63  }
0x82: {  	s7 =	simm.s32 @!p0 $0x5  }
0x83: {  	_ =	swait.ge @!p0 [sflag:s7], $0x2000  }
0x84: {  	[sflag:s7] =	ssyncset.done @!p0 $0x0  }
0x85: {  	s22 =	simm.s32 @!p0 $0xB400;
	[sflag:s7] =	ssyncadd.s32 @!p0 $0xFFFFE000;
	s7 =	sadd.s32 @!p0 s23, s15  }
0x86: {  	[hbm4b:s7+s29] =	stream.linear.scatter @!p0 [tilespmem:s22], [sflag:$0xF], $0x2000, $0x38;
	[tilespmem:$0x17400] =	vst v63  }
0x87: {  	s7 =	simm.s32 @!p0 $0xE  }
0x88: {  	_ =	swait.ge @!p0 [sflag:s7], $0x2000  }
0x89: {  	[sflag:s7] =	ssyncset.done @!p0 $0x0  }
0x8a: {  	s24 =	simm.s32 @!p0 $0x9400;
	[sflag:s7] =	ssyncadd.s32 @!p0 $0xFFFFE000;
	s7 =	sadd.s32 @!p0 $0x680, s30  }
0x8b: {  	[tilespmem:s24], [sflag:$0x4] =	stream.indirect.gather @!p0 [hbm4b:s2+s1], $0x80, s7, s1, $0xb8;
	[tilespmem:$0x17400] =	vst v63  }
0x8c: {  	_ =	swait.ge [sflag:s0], $0x2000  }
0x8d: {  	[sflag:s0] =	ssyncset.done $0x0  }
0x8e: {  	s7 =	sadd.s32 s23, s14;
	s24 =	simm.s32 $0xD400;
	[sflag:s0] =	ssyncadd.s32 $0xFFFFE000  }
0x8f: {  	[hbm4b:s7+s4] =	stream.linear.scatter [tilespmem:s24], [sflag:$0x10], $0x2000, $0x38;
	[tilespmem:$0x17400] =	vst v63  }
0x90: {  	s7 =	simm.s32 @p0 $0x7  }
0x91: {  	_ =	swait.ge @p0 [sflag:s7], $0x2000  }
0x92: {  	[sflag:s7] =	ssyncset.done @p0 $0x0  }
0x93: {  	[sflag:s7] =	ssyncadd.s32 @p0 $0xFFFFE000;
	s7 =	simm.s32 @p0 $0xF400  }
0x94: {  	[hbm4b:s9+s3] =	stream.linear.scatter @p0 [tilespmem:s7], [sflag:$0x11], $0x2000, $0x38;
	[tilespmem:$0x17400] =	vst v63  }
0x95: {  	s7 =	simm.s32 @!p0 $0xF  }
0x96: {  	_ =	swait.ge @!p0 [sflag:s7], $0x2000  }
0x97: {  	[sflag:s7] =	ssyncset.done @!p0 $0x0  }
0x98: {  	[sflag:s7] =	ssyncadd.s32 @!p0 $0xFFFFE000;
	s7 =	sadd.s32 @!p0 $0x700, s30  }
0x99: {  	[tilespmem:s22], [sflag:$0x5] =	stream.indirect.gather @!p0 [hbm4b:s2+s1], $0x80, s7, s1, $0xb8;
	[tilespmem:$0x17400] =	vst v63  }
0x9a: {  	s7 =	simm.s32 @!p0 $0x7  }
0x9b: {  	_ =	swait.ge @!p0 [sflag:s7], $0x2000  }
0x9c: {  	[sflag:s7] =	ssyncset.done @!p0 $0x0  }
0x9d: {  	s22 =	simm.s32 @!p0 $0xF400;
	[sflag:s7] =	ssyncadd.s32 @!p0 $0xFFFFE000;
	s7 =	sadd.s32 @!p0 s23, s13  }
0x9e: {  	[hbm4b:s7+s29] =	stream.linear.scatter @!p0 [tilespmem:s22], [sflag:$0x11], $0x2000, $0x38;
	[tilespmem:$0x17400] =	vst v63  }
0x9f: {  	s7 =	simm.s32 @!p0 $0x10  }
0xa0: {  	_ =	swait.ge @!p0 [sflag:s7], $0x2000  }
0xa1: {  	[sflag:s7] =	ssyncset.done @!p0 $0x0  }
0xa2: {  	s24 =	simm.s32 @!p0 $0xD400;
	[sflag:s7] =	ssyncadd.s32 @!p0 $0xFFFFE000;
	s7 =	sadd.s32 @!p0 $0x780, s30  }
0xa3: {  	[tilespmem:s24], [sflag:$0x6] =	stream.indirect.gather @!p0 [hbm4b:s2+s1], $0x80, s7, s1, $0xb8;
	[tilespmem:$0x17400] =	vst v63  }
0xa4: {  	_ =	swait.ge [sflag:s5], $0x2000  }
0xa5: {  	[sflag:s5] =	ssyncset.done $0x0  }
0xa6: {  	s7 =	sadd.s32 s23, s12;
	s24 =	simm.s32 $0x11400;
	[sflag:s5] =	ssyncadd.s32 $0xFFFFE000  }
0xa7: {  	[hbm4b:s7+s4] =	stream.linear.scatter [tilespmem:s24], [sflag:$0x12], $0x2000, $0x38;
	[tilespmem:$0x17400] =	vst v63  }
0xa8: {  	s7 =	simm.s32 @p0 $0x9  }
0xa9: {  	_ =	swait.ge @p0 [sflag:s7], $0x2000  }
0xaa: {  	[sflag:s7] =	ssyncset.done @p0 $0x0  }
0xab: {  	[sflag:s7] =	ssyncadd.s32 @p0 $0xFFFFE000;
	s7 =	simm.s32 @p0 $0x13400  }
0xac: {  	[hbm4b:s10+s3] =	stream.linear.scatter @p0 [tilespmem:s7], [sflag:$0x13], $0x2000, $0x38;
	[tilespmem:$0x17400] =	vst v63  }
0xad: {  	s3 =	simm.s32 @!p0 $0x11  }
0xae: {  	_ =	swait.ge @!p0 [sflag:s3], $0x2000  }
0xaf: {  	[sflag:s3] =	ssyncset.done @!p0 $0x0  }
0xb0: {  	[sflag:s3] =	ssyncadd.s32 @!p0 $0xFFFFE000;
	s3 =	sadd.s32 @!p0 $0x800, s30  }
0xb1: {  	[tilespmem:s22], [sflag:$0x7] =	stream.indirect.gather @!p0 [hbm4b:s2+s1], $0x80, s3, s1, $0xb8;
	[tilespmem:$0x17400] =	vst v63  }
0xb2: {  	s3 =	simm.s32 @!p0 $0x9  }
0xb3: {  	_ =	swait.ge @!p0 [sflag:s3], $0x2000  }
0xb4: {  	[sflag:s3] =	ssyncset.done @!p0 $0x0  }
0xb5: {  	s7 =	simm.s32 @!p0 $0x13400;
	[sflag:s3] =	ssyncadd.s32 @!p0 $0xFFFFE000;
	s3 =	sadd.s32 @!p0 s23, s11  }
0xb6: {  	[hbm4b:s3+s29] =	stream.linear.scatter @!p0 [tilespmem:s7], [sflag:$0x13], $0x2000, $0x38;
	[tilespmem:$0x17400] =	vst v63  }
0xb7: {  	s3 =	simm.s32 @!p0 $0x12  }
0xb8: {  	_ =	swait.ge @!p0 [sflag:s3], $0x2000  }
0xb9: {  	[sflag:s3] =	ssyncset.done @!p0 $0x0  }
0xba: {  	s7 =	simm.s32 @!p0 $0x11400;
	[sflag:s3] =	ssyncadd.s32 @!p0 $0xFFFFE000;
	s3 =	sadd.s32 @!p0 $0x880, s30  }
0xbb: {  	[tilespmem:s7], [sflag:$0x8] =	stream.indirect.gather @!p0 [hbm4b:s2+s1], $0x80, s3, s1, $0xb8;
	[tilespmem:$0x17400] =	vst v63  }
.Ltmp2:
0xbc: {  	_ = 	snop;
	(pc) =	sbr.rel @p0 .LBB2_4-.Ltmp2, $4  }
0xbd: {  	_ =	swait.ge [sflag:s6], $0x2000  }
0xbe: {  	[sflag:s6] =	ssyncset.done $0x0  }
0xbf: {  	s29 =	sadd.s32 s23, s20;
	s30 =	simm.s32 $0x15400;
	[sflag:s6] =	ssyncadd.s32 $0xFFFFE000  }
0xc0: {  	[hbm4b:s29+s4] =	stream.linear.scatter [tilespmem:s30], [sflag:$0x14], $0x2000, $0x38;
	[tilespmem:$0x17400] =	vst v63  }
.Ltmp3:
0xc1: {  	(pc) =	sbr.rel .LBB2_2-.Ltmp3, $4  }
0xc2: {  	_ =	swait.ge [sflag:s21], $0x2000;
	s1 =	sshra.s32 s25, $0x2;
	s3 =	simm.s32 $0x40  }
0xc3: {  	s7 =	simm.s32 $0x13400;
	s25 =	sadd.s32 $0x1400, s25;
	[sflag:s21] =	ssyncset.done $0x0  }
0xc4: {  	s23 =	sadd.s32 $0x2800, s23;
	s1 =	sadd.s32 $0x900, s1;
	[sflag:s21] =	ssyncadd.s32 $0xFFFFE000  }
0xc5: {  	[tilespmem:s7], [sflag:$0x9] =	stream.indirect.gather [hbm4b:s2+s3], $0x80, s1, s3, $0xb8;
	[tilespmem:$0x17400] =	vst v63  }
.LBB2_5:
0xc6: {  	_ =	sfence.sel $0x180000  }
0xc7: {  	[bflag:$0x0] =	sbarrier.arrive $0xFFFF  }
0xc8: {  	_ =	strace $0x90000047  }
0xc9: {  	s0 =	stileid.u32;
	[bflag:$0x2] =	sbarrier.arrive $0xFFFF  }
0xca: {  	p0 =	sne.s32 s0, $0x0;
	s0 =	rddreg [dreg:$0x3]  }
0xcb: {  	s0 =	sadd.s32 @!p0 $0x100000, s0  }
0xcc: {  	[sflag:s0] =	ssyncadd.tile.s32 @!p0 $0x1;
	_ =	shalt  }
.Lfunc_end2:
_tile_overlayer_lowered:
.L_overlay_start_2:
0xcd: {  	(tag) =	ssettag $0x2  }
0xce: {  	s0 =	rddreg [dreg:$0x0];
	s2 =	stileid.u32  }
0xcf: {  	s1 =	rddreg [dreg:$0x1];
	p0 =	sne.s32 s2, $0x0  }
0xd0: {  	s3 =	rddreg [dreg:$0x2];
	[bflag:$0x3] =	sbarrier.arrive $0xFFFF;
	s2 =	simm.s32 @!p0 $0x1C15  }
0xd1: {  	[timem:s3], [sflag:s2] =	dma.local @!p0 [hbm:s0], s1  }
0xd2: {  	s0 =	simm.s32 @!p0 $0x15  }
0xd3: {  	_ =	swait.ge @!p0 [sflag:s0], s1  }
0xd4: {  	s1 =	ssub.s32 @!p0 $0x0, s1;
	[sflag:s0] =	ssyncset.done @!p0 $0x0  }
0xd5: {  	[sflag:s0] =	ssyncadd.s32 @!p0 s1  }
0xd6: {  	[bflag:$0x3] =	sbarrier.arrive $0xFFFF  }
0xd7: {  	_ =	shalt  }

</sc_bundles>
